<compile_context>
chip_gen: v7x
topology: tpu7x:2x2x1
jax: 0.10.2.dev20260603
libtpu: 0.0.44.dev20260713+nightly
codegen_flags: <defaults>
</compile_context>

<pallas_src>
import jax
import jax.numpy as jnp
from jax.experimental import pallas as pl

N = 10000
D = 128
E = 320000
BLK = 400


def _make_tc_layer(relu):
    def tc_body(h_ref, agg_ref, deg_ref, ws_ref, wn_ref, b_ref, o_ref):
        recip = 1.0 / jnp.maximum(deg_ref[:, 0:1], 1.0)
        hn = agg_ref[...] * recip
        out = (jnp.dot(h_ref[...], ws_ref[...],
                       preferred_element_type=jnp.float32)
               + jnp.dot(hn, wn_ref[...],
                         preferred_element_type=jnp.float32)
               + b_ref[...])
        o_ref[...] = jnp.maximum(out, 0.0) if relu else out

    return pl.pallas_call(
        tc_body,
        grid=(N // BLK,),
        in_specs=[
            pl.BlockSpec((BLK, D), lambda i: (i, 0)),
            pl.BlockSpec((BLK, D), lambda i: (i, 0)),
            pl.BlockSpec((BLK, 8), lambda i: (i, 0)),
            pl.BlockSpec((D, D), lambda i: (0, 0)),
            pl.BlockSpec((D, D), lambda i: (0, 0)),
            pl.BlockSpec((1, D), lambda i: (0, 0)),
        ],
        out_specs=pl.BlockSpec((BLK, D), lambda i: (i, 0)),
        out_shape=jax.ShapeDtypeStruct((N, D), jnp.float32),
    )


def kernel(x, edge_index, W_self1, W_neigh1, b1, W_self2, W_neigh2, b2):
    src = edge_index[0].astype(jnp.int32)
    dst = edge_index[1].astype(jnp.int32)
    key = jnp.sort(dst * 16384 + src)
    dst_s = key >> 14
    src_s = key & 16383
    bounds = jnp.searchsorted(dst_s, jnp.arange(N + 1, dtype=jnp.int32))
    deg = (bounds[1:] - bounds[:-1]).astype(jnp.float32)
    deg8 = jnp.broadcast_to(deg[:, None], (N, 8))

    tc1 = _make_tc_layer(True)
    tc2 = _make_tc_layer(False)

    agg1 = jax.ops.segment_sum(jnp.take(x, src_s, axis=0, mode="clip"),
                               dst_s, num_segments=N,
                               indices_are_sorted=True)
    h1 = tc1(x, agg1, deg8, W_self1, W_neigh1, b1.reshape(1, D))

    agg2 = jax.ops.segment_sum(jnp.take(h1, src_s, axis=0, mode="clip"),
                               dst_s, num_segments=N,
                               indices_are_sorted=True)
    h2 = tc2(h1, agg2, deg8, W_self2, W_neigh2, b2.reshape(1, D))
    return (x, h1, h2)

# --- scband reference (transcript-rebuilt; emitter-appended) ---
"""Pipeline reference for scband-sage-59313498358200 (READ-ONLY COPY).

The authoritative reference and input builder live on the scoring server;
editing this copy changes nothing except your own understanding.
"""

import jax, jax.numpy as jnp
import numpy as np

N = 10000
E = 320000
D = 128

def setup_inputs(seed: int = 0) -> dict:
    key = jax.random.key(seed)
    ks = jax.random.split(key, 9)
    x = jax.random.normal(ks[0], (N, D), dtype=jnp.float32)
    edge_index = jax.random.randint(ks[1], (2, E), 0, N)
    scale = 1.0 / np.sqrt(D)
    W_self1 = jax.random.normal(ks[2], (D, D), dtype=jnp.float32) * scale
    W_neigh1 = jax.random.normal(ks[3], (D, D), dtype=jnp.float32) * scale
    b1 = jnp.zeros((D,), dtype=jnp.float32)
    W_self2 = jax.random.normal(ks[4], (D, D), dtype=jnp.float32) * scale
    W_neigh2 = jax.random.normal(ks[5], (D, D), dtype=jnp.float32) * scale
    b2 = jnp.zeros((D,), dtype=jnp.float32)
    return {"x": x, "edge_index": edge_index, "W_self1": W_self1, "W_neigh1": W_neigh1, "b1": b1, "W_self2": W_self2, "W_neigh2": W_neigh2, "b2": b2}


def _sage_layer(h, src, dst, W_self, W_neigh, b):
    # DGL SAGEConv with 'mean' aggregator:
    #   h_neigh = mean over in-neighbors of src features (scatter-add / in-degree)
    #   rst = fc_self(h) + fc_neigh(h_neigh)
    msg = h[src]                                   # gather [E, D]
    agg = jax.ops.segment_sum(msg, dst, num_segments=N)   # scatter-add [N, D]
    deg = jax.ops.segment_sum(jnp.ones((src.shape[0],), dtype=jnp.float32), dst, num_segments=N)
    h_neigh = agg / jnp.clip(deg, 1.0)[:, None]
    return h @ W_self + b + h_neigh @ W_neigh


def reference(x, edge_index, W_self1, W_neigh1, b1, W_self2, W_neigh2, b2):
    # dropout p=0.0 -> identity, omitted
    src = edge_index[0]
    dst = edge_index[1]
    results = [x]
    h1 = _sage_layer(x, src, dst, W_self1, W_neigh1, b1)
    h1 = jax.nn.relu(h1)  # act between layers
    results.append(h1)
    h2 = _sage_layer(h1, src, dst, W_self2, W_neigh2, b2)
    results.append(h2)
    return tuple(results)

if __name__ == "__main__":
    import jax
    _d = setup_inputs()
    print(jax.jit(kernel)(*tuple(_d.values())))

</pallas_src>

<mosaic_0001>
module attributes {stable_mosaic.version = 14 : i64} {
  func.func @tc_body(%arg0: i32, %arg1: memref<400x128xf32, #tpu.memory_space<vmem>>, %arg2: memref<400x128xf32, #tpu.memory_space<vmem>>, %arg3: memref<400x8xf32, #tpu.memory_space<vmem>>, %arg4: memref<128x128xf32, #tpu.memory_space<vmem>>, %arg5: memref<128x128xf32, #tpu.memory_space<vmem>>, %arg6: memref<1x128xf32, #tpu.memory_space<vmem>>, %arg7: memref<400x128xf32, #tpu.memory_space<vmem>>) attributes {dimension_semantics = [#tpu.dimension_semantics<arbitrary>], iteration_bounds = array<i64: 25>, scalar_prefetch = 0 : i64, scratch_operands = 0 : i64, tpu.core_type = #tpu.core_type<tc>, window_params = [{transform_indices = @transform_0, window_bounds = array<i64: 400, 128>}, {transform_indices = @transform_1, window_bounds = array<i64: 400, 128>}, {transform_indices = @transform_2, window_bounds = array<i64: 400, 8>}, {pipeline_mode = #tpu.pipeline_mode<synchronous>, transform_indices = @transform_3, window_bounds = array<i64: 128, 128>}, {pipeline_mode = #tpu.pipeline_mode<synchronous>, transform_indices = @transform_4, window_bounds = array<i64: 128, 128>}, {pipeline_mode = #tpu.pipeline_mode<synchronous>, transform_indices = @transform_5, window_bounds = array<i64: 1, 128>}, {transform_indices = @transform_6, window_bounds = array<i64: 400, 128>}]} {
    %get3A = arith.constant 0 : index
    %get3A_0 = arith.constant 0 : index
    %get3A_1 = vector.load %arg3[%get3A, %get3A_0] : memref<400x8xf32, #tpu.memory_space<vmem>>, vector<400x1xf32>
    %max3A = arith.constant 1.000000e+00 : f32
    %max3A_2 = vector.broadcast %max3A : f32 to vector<400x1xf32>
    %max3A_3 = arith.maximumf %get3A_1, %max3A_2 : vector<400x1xf32>
    %div3A = arith.constant 1.000000e+00 : f32
    %div3A_4 = vector.broadcast %div3A : f32 to vector<400x1xf32>
    %div3A_5 = arith.divf %div3A_4, %max3A_3 : vector<400x1xf32>
    %get3A_6 = arith.constant 0 : index
    %get3A_7 = arith.constant 0 : index
    %get3A_8 = vector.load %arg2[%get3A_6, %get3A_7] : memref<400x128xf32, #tpu.memory_space<vmem>>, vector<400x128xf32>
    %mul3A = vector.broadcast %div3A_5 : vector<400x1xf32> to vector<400x128xf32>
    %mul3A_9 = arith.mulf %get3A_8, %mul3A : vector<400x128xf32>
    %get3A_10 = arith.constant 0 : index
    %get3A_11 = arith.constant 0 : index
    %get3A_12 = vector.load %arg1[%get3A_10, %get3A_11] : memref<400x128xf32, #tpu.memory_space<vmem>>, vector<400x128xf32>
    %get3A_13 = arith.constant 0 : index
    %get3A_14 = arith.constant 0 : index
    %get3A_15 = vector.load %arg4[%get3A_13, %get3A_14] : memref<128x128xf32, #tpu.memory_space<vmem>>, vector<128x128xf32>
    %dot_general3A = arith.constant dense<0.000000e+00> : vector<400x128xf32>
    %dot_general3A_16 = tpu.matmul %get3A_12, %get3A_15, %dot_general3A {dimension_numbers = #tpu.dot_dimension_numbers<[1], [0], [0], [1], [0, 0, 1, 1], [], []>, transpose_lhs_hint = false} : vector<400x128xf32>, vector<128x128xf32>, vector<400x128xf32> -> vector<400x128xf32>
    %get3A_17 = arith.constant 0 : index
    %get3A_18 = arith.constant 0 : index
    %get3A_19 = vector.load %arg5[%get3A_17, %get3A_18] : memref<128x128xf32, #tpu.memory_space<vmem>>, vector<128x128xf32>
    %dot_general3A_20 = arith.constant dense<0.000000e+00> : vector<400x128xf32>
    %dot_general3A_21 = tpu.matmul %mul3A_9, %get3A_19, %dot_general3A_20 {dimension_numbers = #tpu.dot_dimension_numbers<[1], [0], [0], [1], [0, 0, 1, 1], [], []>, transpose_lhs_hint = false} : vector<400x128xf32>, vector<128x128xf32>, vector<400x128xf32> -> vector<400x128xf32>
    %add3A = arith.addf %dot_general3A_16, %dot_general3A_21 : vector<400x128xf32>
    %get3A_22 = arith.constant 0 : index
    %get3A_23 = arith.constant 0 : index
    %get3A_24 = vector.load %arg6[%get3A_22, %get3A_23] : memref<1x128xf32, #tpu.memory_space<vmem>>, vector<1x128xf32>
    %add3A_25 = vector.broadcast %get3A_24 : vector<1x128xf32> to vector<400x128xf32>
    %add3A_26 = arith.addf %add3A, %add3A_25 : vector<400x128xf32>
    %max3A_27 = arith.constant 0.000000e+00 : f32
    %max3A_28 = vector.broadcast %max3A_27 : f32 to vector<400x128xf32>
    %max3A_29 = arith.maximumf %add3A_26, %max3A_28 : vector<400x128xf32>
    %swap3A = arith.constant 0 : index
    %swap3A_30 = arith.constant 0 : index
    %swap3A_31 = vector.load %arg7[%swap3A, %swap3A_30] : memref<400x128xf32, #tpu.memory_space<vmem>>, vector<400x128xf32>
    tpu.vector_store %arg7[%swap3A, %swap3A_30], %max3A_29 {strides = array<i32>} : memref<400x128xf32, #tpu.memory_space<vmem>>, vector<400x128xf32>,
    return
  }
  func.func @transform_0(%arg0: i32) -> (i32, i32) {
    %c0_i32 = arith.constant 0 : i32
    %c0_i32_0 = arith.constant 0 : i32
    return %arg0, %c0_i32 : i32, i32
  }
  func.func @transform_1(%arg0: i32) -> (i32, i32) {
    %c0_i32 = arith.constant 0 : i32
    %c0_i32_0 = arith.constant 0 : i32
    return %arg0, %c0_i32 : i32, i32
  }
  func.func @transform_2(%arg0: i32) -> (i32, i32) {
    %c0_i32 = arith.constant 0 : i32
    %c0_i32_0 = arith.constant 0 : i32
    return %arg0, %c0_i32 : i32, i32
  }
  func.func @transform_3(%arg0: i32) -> (i32, i32) {
    %c0_i32 = arith.constant 0 : i32
    %c0_i32_0 = arith.constant 0 : i32
    %c0_i32_1 = arith.constant 0 : i32
    return %c0_i32, %c0_i32_0 : i32, i32
  }
  func.func @transform_4(%arg0: i32) -> (i32, i32) {
    %c0_i32 = arith.constant 0 : i32
    %c0_i32_0 = arith.constant 0 : i32
    %c0_i32_1 = arith.constant 0 : i32
    return %c0_i32, %c0_i32_0 : i32, i32
  }
  func.func @transform_5(%arg0: i32) -> (i32, i32) {
    %c0_i32 = arith.constant 0 : i32
    %c0_i32_0 = arith.constant 0 : i32
    %c0_i32_1 = arith.constant 0 : i32
    return %c0_i32, %c0_i32_0 : i32, i32
  }
  func.func @transform_6(%arg0: i32) -> (i32, i32) {
    %c0_i32 = arith.constant 0 : i32
    %c0_i32_0 = arith.constant 0 : i32
    return %arg0, %c0_i32 : i32, i32
  }
}

module attributes {stable_mosaic.version = 14 : i64} {
  func.func @tc_body(%arg0: i32, %arg1: memref<400x128xf32, #tpu.memory_space<vmem>>, %arg2: memref<400x128xf32, #tpu.memory_space<vmem>>, %arg3: memref<400x8xf32, #tpu.memory_space<vmem>>, %arg4: memref<128x128xf32, #tpu.memory_space<vmem>>, %arg5: memref<128x128xf32, #tpu.memory_space<vmem>>, %arg6: memref<1x128xf32, #tpu.memory_space<vmem>>, %arg7: memref<400x128xf32, #tpu.memory_space<vmem>>) attributes {dimension_semantics = [#tpu.dimension_semantics<arbitrary>], iteration_bounds = array<i64: 25>, scalar_prefetch = 0 : i64, scratch_operands = 0 : i64, tpu.core_type = #tpu.core_type<tc>, window_params = [{transform_indices = @transform_0, window_bounds = array<i64: 400, 128>}, {transform_indices = @transform_1, window_bounds = array<i64: 400, 128>}, {transform_indices = @transform_2, window_bounds = array<i64: 400, 8>}, {pipeline_mode = #tpu.pipeline_mode<synchronous>, transform_indices = @transform_3, window_bounds = array<i64: 128, 128>}, {pipeline_mode = #tpu.pipeline_mode<synchronous>, transform_indices = @transform_4, window_bounds = array<i64: 128, 128>}, {pipeline_mode = #tpu.pipeline_mode<synchronous>, transform_indices = @transform_5, window_bounds = array<i64: 1, 128>}, {transform_indices = @transform_6, window_bounds = array<i64: 400, 128>}]} {
    %get3A = arith.constant 0 : index
    %get3A_0 = arith.constant 0 : index
    %get3A_1 = vector.load %arg3[%get3A, %get3A_0] : memref<400x8xf32, #tpu.memory_space<vmem>>, vector<400x1xf32>
    %max3A = arith.constant 1.000000e+00 : f32
    %max3A_2 = vector.broadcast %max3A : f32 to vector<400x1xf32>
    %max3A_3 = arith.maximumf %get3A_1, %max3A_2 : vector<400x1xf32>
    %div3A = arith.constant 1.000000e+00 : f32
    %div3A_4 = vector.broadcast %div3A : f32 to vector<400x1xf32>
    %div3A_5 = arith.divf %div3A_4, %max3A_3 : vector<400x1xf32>
    %get3A_6 = arith.constant 0 : index
    %get3A_7 = arith.constant 0 : index
    %get3A_8 = vector.load %arg2[%get3A_6, %get3A_7] : memref<400x128xf32, #tpu.memory_space<vmem>>, vector<400x128xf32>
    %mul3A = vector.broadcast %div3A_5 : vector<400x1xf32> to vector<400x128xf32>
    %mul3A_9 = arith.mulf %get3A_8, %mul3A : vector<400x128xf32>
    %get3A_10 = arith.constant 0 : index
    %get3A_11 = arith.constant 0 : index
    %get3A_12 = vector.load %arg1[%get3A_10, %get3A_11] : memref<400x128xf32, #tpu.memory_space<vmem>>, vector<400x128xf32>
    %get3A_13 = arith.constant 0 : index
    %get3A_14 = arith.constant 0 : index
    %get3A_15 = vector.load %arg4[%get3A_13, %get3A_14] : memref<128x128xf32, #tpu.memory_space<vmem>>, vector<128x128xf32>
    %dot_general3A = arith.constant dense<0.000000e+00> : vector<400x128xf32>
    %dot_general3A_16 = tpu.matmul %get3A_12, %get3A_15, %dot_general3A {dimension_numbers = #tpu.dot_dimension_numbers<[1], [0], [0], [1], [0, 0, 1, 1], [], []>, transpose_lhs_hint = false} : vector<400x128xf32>, vector<128x128xf32>, vector<400x128xf32> -> vector<400x128xf32>
    %get3A_17 = arith.constant 0 : index
    %get3A_18 = arith.constant 0 : index
    %get3A_19 = vector.load %arg5[%get3A_17, %get3A_18] : memref<128x128xf32, #tpu.memory_space<vmem>>, vector<128x128xf32>
    %dot_general3A_20 = arith.constant dense<0.000000e+00> : vector<400x128xf32>
    %dot_general3A_21 = tpu.matmul %mul3A_9, %get3A_19, %dot_general3A_20 {dimension_numbers = #tpu.dot_dimension_numbers<[1], [0], [0], [1], [0, 0, 1, 1], [], []>, transpose_lhs_hint = false} : vector<400x128xf32>, vector<128x128xf32>, vector<400x128xf32> -> vector<400x128xf32>
    %add3A = arith.addf %dot_general3A_16, %dot_general3A_21 : vector<400x128xf32>
    %get3A_22 = arith.constant 0 : index
    %get3A_23 = arith.constant 0 : index
    %get3A_24 = vector.load %arg6[%get3A_22, %get3A_23] : memref<1x128xf32, #tpu.memory_space<vmem>>, vector<1x128xf32>
    %add3A_25 = vector.broadcast %get3A_24 : vector<1x128xf32> to vector<400x128xf32>
    %add3A_26 = arith.addf %add3A, %add3A_25 : vector<400x128xf32>
    %swap3A = arith.constant 0 : index
    %swap3A_27 = arith.constant 0 : index
    %swap3A_28 = vector.load %arg7[%swap3A, %swap3A_27] : memref<400x128xf32, #tpu.memory_space<vmem>>, vector<400x128xf32>
    tpu.vector_store %arg7[%swap3A, %swap3A_27], %add3A_26 {strides = array<i32>} : memref<400x128xf32, #tpu.memory_space<vmem>>, vector<400x128xf32>,
    return
  }
  func.func @transform_0(%arg0: i32) -> (i32, i32) {
    %c0_i32 = arith.constant 0 : i32
    %c0_i32_0 = arith.constant 0 : i32
    return %arg0, %c0_i32 : i32, i32
  }
  func.func @transform_1(%arg0: i32) -> (i32, i32) {
    %c0_i32 = arith.constant 0 : i32
    %c0_i32_0 = arith.constant 0 : i32
    return %arg0, %c0_i32 : i32, i32
  }
  func.func @transform_2(%arg0: i32) -> (i32, i32) {
    %c0_i32 = arith.constant 0 : i32
    %c0_i32_0 = arith.constant 0 : i32
    return %arg0, %c0_i32 : i32, i32
  }
  func.func @transform_3(%arg0: i32) -> (i32, i32) {
    %c0_i32 = arith.constant 0 : i32
    %c0_i32_0 = arith.constant 0 : i32
    %c0_i32_1 = arith.constant 0 : i32
    return %c0_i32, %c0_i32_0 : i32, i32
  }
  func.func @transform_4(%arg0: i32) -> (i32, i32) {
    %c0_i32 = arith.constant 0 : i32
    %c0_i32_0 = arith.constant 0 : i32
    %c0_i32_1 = arith.constant 0 : i32
    return %c0_i32, %c0_i32_0 : i32, i32
  }
  func.func @transform_5(%arg0: i32) -> (i32, i32) {
    %c0_i32 = arith.constant 0 : i32
    %c0_i32_0 = arith.constant 0 : i32
    %c0_i32_1 = arith.constant 0 : i32
    return %c0_i32, %c0_i32_0 : i32, i32
  }
  func.func @transform_6(%arg0: i32) -> (i32, i32) {
    %c0_i32 = arith.constant 0 : i32
    %c0_i32_0 = arith.constant 0 : i32
    return %arg0, %c0_i32 : i32, i32
  }
}

</mosaic_0001>

<sc_bundles>
// kernel: scatter_offload_async_start.1
scs
__scs_entry_jumppad:
0x0: {  	(pc) =	sbr.rel $0x88, $3  }
0x1: {  	(tag) =	ssettag $0x0;
	lr =	simm.s32 $0x1  }
0x2: {  	[smem:$0x3F99] =	sst lr;
	_ =	strace $0xD0000000  }
0x3: {  	_ = 	snop  }
0x4: {  	_ = 	snop  }
0x5: {  	_ = 	snop  }
0x6: {  	_ = 	snop  }
0x7: {  	_ = 	snop  }
__scs_overlays_trampoline_lowered:
0x8: {  	[smem:$0x3FA8] =	sst s0  }
0x9: {  	[smem:$0x3FA9] =	sst s1  }
0xa: {  	[smem:$0x3FAA] =	sst s2  }
0xb: {  	[smem:$0x3FAB] =	sst s3  }
0xc: {  	[smem:$0x3FAC] =	sst s4  }
0xd: {  	[smem:$0x3FAD] =	sst s5  }
0xe: {  	[smem:$0x3FAE] =	sst s6  }
0xf: {  	[smem:$0x3FAF] =	sst s7  }
0x10: {  	[smem:$0x3FB0] =	sst s8  }
0x11: {  	[smem:$0x3FB1] =	sst s9;
	s0 =	simm.s32 @!p0 $0x0  }
0x12: {  	s1 =	sld [smem:$0x3F97];
	s0 =	simm.s32 @p0 $0x1  }
0x13: {  	[smem:$0x3FB2] =	sst s0;
	s0 =	simm.s32 @!p1 $0x0  }
0x14: {  	s2 =	sld [smem:$0x3F96];
	s0 =	simm.s32 @p1 $0x1  }
0x15: {  	[smem:$0x3FB3] =	sst s0;
	s0 =	simm.s32 @!p2 $0x0  }
0x16: {  	s3 =	sld [smem:$0x3FDB];
	s0 =	simm.s32 @p2 $0x1  }
0x17: {  	s4 =	simm.s32 $0x1BF5;
	[smem:$0x3FB5] =	sst s0  }
0x18: {  	s0 =	sld [smem:$0x3F98];
	_ =	swait.ge [sflag:s4], $0x0  }
0x19: {  	s7 =	sld [smem:$0x3F99]  }
0x1a: {  	s8 =	sadd.s32 $0xFFFFE003, lr  }
0x1b: {  	s9 =	sadd.s32 $0xFFFFFEF7, lr;
	s5 =	simm.s32 $0xFFFFFFFF;
	p2 =	slt.u32 s8, $0xFFFFF086  }
0x1c: {  	p1 =	slt.u32 s9, $0xF7A;
	s5 =	simm.s32 @!p2 $0x0  }
0x1d: {  	s5 =	simm.s32 @p1 $0x1;
	p0 =	seq.s32 s7, s2  }
0x1e: {  	s7 =	smul.u32 @!p0 $0xF7A, s2;
	p2 =	seq.s32 @!p0 s5, $0x0  }
0x1f: {  	s9 =	smul.u32 $0xF7A, s1;
	s8 =	simm.s32 @!p0 $0x1BF5;
	p2 =	por !p2, p0  }
0x20: {  	[sflag:s8] =	ssyncset.s32 @!p0 $0xFFFFF086;
	s6 =	sadd.s32 @!p0 s3, s7;
	s7 =	simm.s32 @!p0 $0x108  }
0x21: {  	s3 =	sadd.s32 s3, s9;
	s6 =	sadd.s32 @!p0 $0x88, s6;
	s7 =	simm.s32 @p2 $0x1082  }
0x22: {  	[simem:s7], [sflag:s8] =	dma.local @!p0 [hbm:s6], $0xF7A  }
0x23: {  	s9 =	sor.u32 $0xD0000000, s2;
	s6 =	simm.s32 $0x108;
	_ =	swait.ge @!p0 [sflag:s8], $0x0  }
0x24: {  	s3 =	sadd.s32 $0x88, s3;
	s6 =	simm.s32 @!p1 $0x1082;
	[sflag:s4] =	ssyncset.s32 $0xFFFFF086  }
0x25: {  	[simem:s6], [sflag:s4] =	dma.local [hbm:s3], $0xF7A  }
0x26: {  	[smem:$0x3F99] =	sst s1;
	(tag) =	ssettag s2;
	_ =	strace s9  }
0x27: {  	s1 =	sld [smem:$0x3FA9]  }
0x28: {  	s2 =	sld [smem:$0x3FAA]  }
0x29: {  	s4 =	sld [smem:$0x3FAC]  }
0x2a: {  	p0 =	seq.s32 s5, $0x0;
	s5 =	sld [smem:$0x3FAD]  }
0x2b: {  	s6 =	sld [smem:$0x3FAE]  }
0x2c: {  	s7 =	sld [smem:$0x3FAF]  }
0x2d: {  	s3 =	simm.s32 $0x108;
	s8 =	sld [smem:$0x3FB0]  }
0x2e: {  	s3 =	simm.s32 @!p0 $0x1082;
	s9 =	sld [smem:$0x3FB1]  }
0x2f: {  	lr =	sadd.s32 s0, s3;
	s0 =	sld [smem:$0x3FA8]  }
0x30: {  	s3 =	sld [smem:$0x3FAB]  }
0x31: {  	[smem:$0x3FB4] =	sst s10  }
0x32: {  	s10 =	sld [smem:$0x3FB2];
	_ =	sdelay $0x3  }
0x33: {  	p0 =	seq.s32 s10, $0x1;
	s10 =	sld [smem:$0x3FB4];
	_ =	sdelay $0x3  }
0x34: {  	[smem:$0x3FB4] =	sst s10  }
0x35: {  	s10 =	sld [smem:$0x3FB3];
	_ =	sdelay $0x3  }
0x36: {  	p1 =	seq.s32 s10, $0x1;
	s10 =	sld [smem:$0x3FB4];
	_ =	sdelay $0x3  }
0x37: {  	[smem:$0x3FB4] =	sst s10  }
0x38: {  	s10 =	sld [smem:$0x3FB5]  }
0x39: {  	_ = 	snop;
	(pc) =	sbr.ind lr, $3  }
0x3a: {  	_ = 	snop  }
0x3b: {  	_ = 	snop  }
0x3c: {  	p2 =	seq.s32 s10, $0x1;
	s10 =	sld [smem:$0x3FB4]  }
0x3d: {  	_ =	shalt  }
0x3e: {  	_ =	shalt  }
0x3f: {  	_ =	shalt  }
0x40: {  	_ =	shalt  }
0x41: {  	_ =	shalt  }
0x42: {  	_ =	shalt  }
0x43: {  	_ =	shalt  }
0x44: {  	_ =	shalt  }
0x45: {  	_ =	shalt  }
0x46: {  	_ =	shalt  }
0x47: {  	_ =	shalt  }
0x48: {  	_ =	shalt  }
0x49: {  	_ =	shalt  }
0x4a: {  	_ =	shalt  }
0x4b: {  	_ =	shalt  }
0x4c: {  	_ =	shalt  }
0x4d: {  	_ =	shalt  }
0x4e: {  	_ =	shalt  }
0x4f: {  	_ =	shalt  }
0x50: {  	_ =	shalt  }
0x51: {  	_ =	shalt  }
0x52: {  	_ =	shalt  }
0x53: {  	_ =	shalt  }
0x54: {  	_ =	shalt  }
0x55: {  	_ =	shalt  }
0x56: {  	_ =	shalt  }
0x57: {  	_ =	shalt  }
0x58: {  	_ =	shalt  }
0x59: {  	_ =	shalt  }
0x5a: {  	_ =	shalt  }
0x5b: {  	_ =	shalt  }
0x5c: {  	_ =	shalt  }
0x5d: {  	_ =	shalt  }
0x5e: {  	_ =	shalt  }
0x5f: {  	_ =	shalt  }
0x60: {  	_ =	shalt  }
0x61: {  	_ =	shalt  }
0x62: {  	_ =	shalt  }
0x63: {  	_ =	shalt  }
0x64: {  	_ =	shalt  }
0x65: {  	_ =	shalt  }
0x66: {  	_ =	shalt  }
0x67: {  	_ =	shalt  }
0x68: {  	_ =	shalt  }
0x69: {  	_ =	shalt  }
0x6a: {  	_ =	shalt  }
0x6b: {  	_ =	shalt  }
0x6c: {  	_ =	shalt  }
0x6d: {  	_ =	shalt  }
0x6e: {  	_ =	shalt  }
0x6f: {  	_ =	shalt  }
0x70: {  	_ =	shalt  }
0x71: {  	_ =	shalt  }
0x72: {  	_ =	shalt  }
0x73: {  	_ =	shalt  }
0x74: {  	_ =	shalt  }
0x75: {  	_ =	shalt  }
0x76: {  	_ =	shalt  }
0x77: {  	_ =	shalt  }
0x78: {  	_ =	shalt  }
0x79: {  	_ =	shalt  }
0x7a: {  	_ =	shalt  }
0x7b: {  	_ =	shalt  }
0x7c: {  	_ =	shalt  }
0x7d: {  	_ =	shalt  }
0x7e: {  	_ =	shalt  }
0x7f: {  	_ =	shalt  }
0x80: {  	_ =	shalt  }
0x81: {  	_ =	shalt  }
0x82: {  	_ =	shalt  }
0x83: {  	_ =	shalt  }
0x84: {  	_ =	shalt  }
0x85: {  	_ =	shalt  }
0x86: {  	_ =	shalt  }
0x87: {  	_ =	shalt  }
.Lfunc_end0:
.L_simem_size_0:
called_computation.1_lowered:
.L_overlay_start_0:
0x88: {  	s2 =	sld [smem:$0x3FD9]  }
0x89: {  	s3 =	sld [smem:$0x3FFE];
	_ =	sdelay $0x1  }
0x8a: {  	s1 =	srdreg.scid  }
0x8b: {  	s0 =	sand.u32 $0x1, s1  }
0x8c: {  	s13 =	sshll.u32 s0, $0xA;
	s2 =	sadd.s32 s3, s2  }
0x8d: {  	s2 =	sadd.s32 s2, s13  }
0x8e: {  	[smem:$0x3FC0] =	sst s2  }
0x8f: {  	_ = 	snop  }
0x90: {  	s2 =	sld [smem:$0x3FD0];
	_ =	sdelay $0x2  }
0x91: {  	s14 =	simm.s32 $0xB;
	s4 =	simm.s32 $0x10  }
0x92: {  	[smem:s4], [sflag:s14] =	dma.local [hbm:s2], $0x1  }
0x93: {  	_ =	swait.eq [sflag:s14], $0x1  }
0x94: {  	[sflag:s14] =	ssyncset.done $0x0  }
0x95: {  	[sflag:s14] =	ssyncadd.s32 $0xFFFFFFFF  }
0x96: {  	s15 =	sld [smem:$0x12];
	(tm) =	ssettm $0x1  }
0x97: {  	s16 =	sld [smem:$0x3FFB];
	_ =	sdelay $0x3  }
0x98: {  	_ =	strace s16  }
0x99: {  	s3 =	sld [smem:$0x3FFC];
	_ =	sdelay $0x3  }
0x9a: {  	_ =	strace s3  }
0x9b: {  	s3 =	sld [smem:$0x3FFD];
	_ =	sdelay $0x3  }
0x9c: {  	_ =	strace s3  }
0x9d: {  	_ =	strace $0x8FFFFFFF  }
0x9e: {  	s17 =	sld [smem:$0x3FDB];
	_ =	sdelay $0x1  }
0x9f: {  	s18 =	simm.s32 $_scs_section_size  }
0xa0: {  	s5 =	simm.s32 $_size__tile_overlayer_lowered;
	s6 =	simm.s32 $_tile_overlayer_lowered  }
0xa1: {  	s21 =	simm.s32 $0x1BFF;
	s20 =	sshll.u32 s6, $0x1;
	s3 =	sadd.s32 s18, s17  }
0xa2: {  	s7 =	simm.s32 $0x0;
	s19 =	sshll.u32 s5, $0x1;
	s5 =	sadd.s32 s20, s3  }
0xa3: {  	[timem:s7], [sflag:s21] =	dma.local [hbm:s5], s19  }
0xa4: {  	_ =	swait.ge [sflag:s21], s19  }
0xa5: {  	s4 =	ssub.s32 $0x0, s19;
	[sflag:s21] =	ssyncset.done $0x0  }
0xa6: {  	[sflag:s21] =	ssyncadd.s32 s4;
	_ =	sdelay $0x1  }
0xa7: {  	s22 =	simm.s32 $0x1B8B  }
0xa8: {  	_ =	swait.ge [sflag:s22], $0x1  }
0xa9: {  	[sflag:s22] =	ssyncset.done $0x0  }
0xaa: {  	s23 =	sld [smem:$0x3FFE];
	[sflag:s22] =	ssyncadd.s32 $0xFFFFFFFF  }
0xab: {  	s25 =	simm.s32 $0x1B8E;
	s24 =	sld [smem:$0x0]  }
0xac: {  	s26 =	simm.s32 $execute0_lowered;
	[smem:$0x3FD2] =	sst s25  }
0xad: {  	s6 =	sshll.u32 s26, $0x1;
	_ =	strace $0x8000004C;
	[dreg:$0x1] =	wrdreg $0xFFFFFFFF  }
0xae: {  	s28 =	simm.s32 $_size_execute0_lowered;
	s3 =	sadd.s32 s3, s6;
	[dreg:$0x0] =	wrdreg $0x0  }
0xaf: {  	s6 =	sshll.u32 s28, $0x1;
	[dreg:$0x2] =	wrdreg s3  }
0xb0: {  	[dreg:$0x3] =	wrdreg s6  }
0xb1: {  	[dreg:$0x4] =	wrdreg $0xC0  }
0xb2: {  	_ =	task [dreg:s7], $0x5FFFF  }
0xb3: {  	[dreg:$0x1] =	wrdreg $0xFFFFFFFF  }
0xb4: {  	[dreg:$0x0] =	wrdreg $0x60  }
0xb5: {  	[dreg:$0x2] =	wrdreg s15  }
0xb6: {  	[dreg:$0x3] =	wrdreg s23  }
0xb7: {  	[dreg:$0x4] =	wrdreg s1  }
0xb8: {  	[dreg:$0x5] =	wrdreg s24  }
0xb9: {  	[dreg:$0x6] =	wrdreg $0x9  }
0xba: {  	_ =	task.clear_ibuf [dreg:s7], $0x7FFFF;
	_ =	strace $0x9000004C  }
0xbb: {  	s29 =	simm.s32 $0x9;
	_ =	strace $0x8000004E  }
0xbc: {  	_ =	swait.ge [sflag:s29], $0x1  }
0xbd: {  	[sflag:s29] =	ssyncadd.s32 $0xFFFFFFFF  }
0xbe: {  	_ =	strace $0x9000004E  }
0xbf: {  	_ =	sfence  }
0xc0: {  	s30 =	sld [smem:$0x0];
	_ =	sdelay $0x2  }
0xc1: {  	s31 =	sshll.u32 s1, $0xD;
	s1 =	sshrl.u32 s1, $0x2  }
0xc2: {  	s3 =	sand.u32 $0x4000, s31;
	s1 =	sadd.s32 s1, s30  }
0xc3: {  	s0 =	sor.u32 s3, s0;
	s1 =	sshll.u32 s1, $0x11  }
0xc4: {  	s0 =	sor.u32 s1, s0  }
0xc5: {  	s0 =	sadd.s32 $0x8F2B, s0  }
0xc6: {  	[sflag:s0] =	ssyncadd.remote.s32 $0x1  }
0xc7: {  	_ =	sfence.sel $0xFFFF  }
0xc8: {  	[dreg:$0x0] =	wrdreg $0xFFFFFFFF;
	(pc) =	sbr.abs _section_cstart, $3  }
0xc9: {  	[dreg:$0x1] =	wrdreg $0xFFFFFFFF  }
0xca: {  	_ =	task.clear_ibuf [dreg:s7], $0x2FFFF;
	_ =	strace $0x9FFFFFFF  }
0xcb: {  	(tm) =	ssettm $0x7FFFFFFF  }
tec
execute0_lowered:
.L_overlay_start_1:
0x0: {  	(tag) =	ssettag $0x1  }
0x1: {  	s1 =	rddreg [dreg:$0x0]  }
0x2: {  	s2 =	rddreg [dreg:$0x1]  }
0x3: {  	s4 =	rddreg [dreg:$0x2]  }
0x4: {  	s3 =	rddreg [dreg:$0x3];
	_ =	strace $0x8000004D;
	s5 =	simm.s32 $0x1  }
0x5: {  	s9 =	simm.s32 $0x108;
	v0 =	vimm.s32 $0x0;
	[sflag:s5] =	ssyncpa.u1 $0x0  }
0x6: {  	[tilespmem:s9+$0x70] =	vst v0  }
0x7: {  	[tilespmem:s9+$0x60] =	vst v0  }
0x8: {  	[tilespmem:s9+$0x50] =	vst v0  }
0x9: {  	[tilespmem:s9+$0x40] =	vst v0  }
0xa: {  	[tilespmem:s9+$0x30] =	vst v0  }
0xb: {  	[tilespmem:s9+$0x20] =	vst v0  }
0xc: {  	s5 =	sadd.s32 $0x1600, s2;
	s6 =	sadd.s32 $0xB400, s2;
	s2 =	simm.s32 $0x40;
	[tilespmem:s9+$0x10] =	vst v0  }
.LBB2_1:
0xd: {  	s2 =	sadd.s32 $0x40, s2;
	[tilespmem:s9+$0x0] =	vst v0;
	s9 =	sadd.s32 $0x80, s9  }
0xe: {  	p0 =	slt.u32 s2, $0x3C40;
	[tilespmem:s9+$0x70] =	vst v0  }
0xf: {  	[tilespmem:s9+$0x60] =	vst v0  }
.Ltmp0:
0x10: {  	[tilespmem:s9+$0x50] =	vst v0;
	(pc) =	sbr.rel @p0 .LBB2_1-.Ltmp0, $4  }
0x11: {  	[tilespmem:s9+$0x40] =	vst v0  }
0x12: {  	[tilespmem:s9+$0x30] =	vst v0  }
0x13: {  	[tilespmem:s9+$0x20] =	vst v0  }
0x14: {  	[tilespmem:s9+$0x10] =	vst v0  }
0x15: {  	s2 =	srdreg.scid  }
0x16: {  	s7 =	sshll.u32 s2, $0x4  }
0x17: {  	s2 =	stileid.u32;
	s7 =	sand.u32 $0x10, s7  }
0x18: {  	s8 =	sor.u32 s2, s7  }
0x19: {  	s7 =	smul.u32 $0x29, s8  }
0x1a: {  	s10 =	smin.u32 s8, $0x16  }
0x1b: {  	s7 =	sadd.s32 s10, s7  }
0x1c: {  	p0 =	slt.u32 s8, $0x16;
	s8 =	simm.s32 $0x2760;
	s7 =	smul.u32 $0xF0, s7  }
0x1d: {  	s8 =	simm.s32 @!p0 $0x2670  }
0x1e: {  	s8 =	sadd.s32 s8, s7  }
0x1f: {  	s8 =	smin.u32 s8, $0x4E2A0  }
0x20: {  	s11 =	ssub.s32 s8, s7  }
0x21: {  	p0 =	sgt.s32 s11, $0x0  }
0x22: {  	s11 =	simm.s32 @!p0 $0x0  }
0x23: {  	s31 =	smulhi.u32 $0x88888889, s11;
	_ =	sdelay $0x1  }
0x24: {  	s12 =	sshrl.u32 s31, $0x7  }
0x25: {  	[tilespmem:s9+$0x0] =	vst v0;
	s9 =	simm.s32 $0x2;
	s13 =	smul.u32 $0xF0, s12  }
.Ltmp1:
0x26: {  	s17 =	simm.s32 $0x0;
	s14 =	simm.s32 $0xA;
	(pc) =	sbr.rel .LBB2_3-.Ltmp1, $4  }
0x27: {  	v0 =	vimm.s32 $0xFFFFFFFF;
	s16 =	simm.s32 $0x0;
	[sflag:s9] =	ssyncpa.u1 $0x0;
	s10 =	simm.s32 $0x9  }
0x28: {  	[tilespmem:$0xF208] =	vst v0;
	[sflag:s10] =	ssyncpa.u1 $0x0;
	p0 =	sne.s32 s11, s13;
	s13 =	simm.s32 $0x1  }
0x29: {  	s15 =	smov.u32 s7;
	s11 =	simm.s32 $0x1;
	s13 =	simm.s32 @!p0 $0x0  }
0x2a: {  	v0 =	vlaneseq.u32;
	p0 =	por $0x0, $0x0;
	s12 =	sadd.s32 s13, s12;
	s13 =	sshll.u32 s2, $0x8  }
.LBB2_18:
0x2b: {  	s18 =	sshrl.u32 s25, $0x2  }
.LBB2_20:
0x2c: {  	_ =	swait.ge [sflag:s14], s18  }
0x2d: {  	s0 =	ssub.s32 $0x0, s18;
	v1 =	vmov s20;
	vm0 =	veq.s32 v0, $0x0;
	[sflag:s14] =	ssyncset.done $0x0  }
0x2e: {  	vm15 =	veq.s32 v0, $0x2;
	v1 =	vsel vm0, s24, v1;
	[sflag:s14] =	ssyncadd.s32 s0  }
0x2f: {  	v1 =	vsel vm15, s17, v1;
	[sflag:s14] =	ssyncpa.u1 $0x1  }
0x30: {  	[tilespmem:$0xF208] =	vst v1  }
.LBB2_21:
0x31: {  	s0 =	sadd.s32 $0xF0, s15  }
0x32: {  	s18 =	smov.u32 s7;
	p1 =	slt.s32 s0, s8  }
0x33: {  	s18 =	smov.u32 @p1 s0;
	p1 =	sne.s32 s16, s12  }
.Ltmp2:
0x34: {  	_ = 	snop;
	(pc) =	sbr.rel @!p1 .LBB2_22-.Ltmp2, $3  }
0x35: {  	_ =	sdelay $0x1  }
0x36: {  	s31 =	sadd.s32 $0x1, s16;
	s17 =	smov.u32 s15  }
0x37: {  	p0 =	por !p0, !p0;
	s16 =	smov.u32 s31;
	s15 =	smov.u32 s18  }
.LBB2_3:
0x38: {  	p1 =	sge.u32 s16, s12  }
0x39: {  	p2 =	sgt.s32 @!p1 s15, $0x4E1B0  }
0x3a: {  	s18 =	smov.u32 s15;
	s19 =	sshra.s32 @!p1 s15, $0x1F;
	p2 =	por !p2, p1  }
0x3b: {  	s19 =	sand.u32 @!p1 s19, s15;
	s18 =	simm.s32 @p2 $0x4E1B0  }
0x3c: {  	s18 =	ssub.s32 @!p1 s18, s19  }
0x3d: {  	s19 =	sxor.u32 @!p1 $0xFFFFFFFF, s16;
	s18 =	sadd.s32 @!p1 $0xFFFB1E50, s18  }
0x3e: {  	s19 =	sand.u32 @!p1 $0x1, s19;
	s20 =	sshll.u32 @!p1 s18, $0x2  }
0x3f: {  	p2 =	sgt.s32 @!p1 s18, $0xEF;
	s18 =	ssub.s32 @!p1 $0x3C0, s20;
	s20 =	smul.u32 @!p1 $0x3C0, s19  }
0x40: {  	s21 =	sshrl.u32 @!p1 s15, $0x3;
	s22 =	sand.u32 @!p1 $0x7, s15  }
0x41: {  	p2 =	por !p2, p1;
	s18 =	sshrl.u32 @!p1 s18, $0x2;
	s20 =	sshrl.u32 @!p1 s20, $0x2  }
0x42: {  	s21 =	sadd.s32 @!p1 s5, s21;
	s18 =	simm.s32 @!p2 $0x0;
	s20 =	sadd.s32 @!p1 $0x10248, s20  }
0x43: {  	[tilespmem:s20], [sflag:$0x9] =	stream.linear.gather @!p1 [hbm4b:s21+s22], s18, $0x38;
	[tilespmem:$0x1F428] =	vst v63  }
0x44: {  	s18 =	ssub.s32 @!p1 $0x4E200, s15  }
0x45: {  	p2 =	sgt.s32 @!p1 s18, $0x0  }
0x46: {  	s19 =	smul.u32 @!p1 $0x1E000, s19;
	p2 =	por !p2, p1  }
0x47: {  	s18 =	simm.s32 @p2 $0x0  }
0x48: {  	s19 =	sshrl.u32 @!p1 s19, $0x2;
	s20 =	sshll.u32 @!p1 s15, $0x4;
	s18 =	smin.u32 @!p1 s18, $0xF0  }
0x49: {  	s19 =	sor.u32 @!p1 $0x10428, s19;
	s20 =	sadd.s32 @!p1 s6, s20;
	s18 =	sshll.u32 @!p1 s18, $0x7  }
0x4a: {  	[tilespmem:s19], [sflag:$0x9] =	stream.linear.gather @!p1 [hbm:s20], s18, $0x38;
	[tilespmem:$0x1F428] =	vst v63  }
0x4b: {  	p1 =	seq.s32 s16, $0x0  }
.Ltmp3:
0x4c: {  	_ = 	snop;
	(pc) =	sbr.rel @p1 .LBB2_21-.Ltmp3, $1  }
0x4d: {  	_ =	sdelay $0x3  }
0x4e: {  	p1 =	sgt.s32 s17, $0x4E1B0  }
0x4f: {  	s18 =	smov.u32 s17;
	s19 =	sshra.s32 s17, $0x1F;
	s20 =	ssub.s32 $0x4E200, s17  }
0x50: {  	s18 =	simm.s32 @!p1 $0x4E1B0;
	s19 =	sand.u32 s19, s17;
	p1 =	sgt.s32 s20, $0x0  }
0x51: {  	s18 =	ssub.s32 s18, s19;
	s20 =	simm.s32 @!p1 $0x0  }
0x52: {  	s18 =	sadd.s32 $0xFFFB1E50, s18;
	s29 =	smin.u32 s20, $0xF0  }
0x53: {  	s21 =	sshll.u32 s18, $0x2;
	s19 =	sshll.u32 s29, $0x7  }
0x54: {  	p1 =	sgt.s32 s18, $0xEF;
	s30 =	ssub.s32 $0x3C0, s21;
	_ =	swait.ge [sflag:s10], s19  }
0x55: {  	s19 =	ssub.s32 $0x0, s19;
	[sflag:s10] =	ssyncset.done $0x0;
	s18 =	sshrl.u32 s30, $0x2  }
0x56: {  	[sflag:s10] =	ssyncadd.s32 s19;
	s18 =	simm.s32 @p1 $0x0  }
0x57: {  	_ =	swait.ge [sflag:s10], s18  }
0x58: {  	s18 =	ssub.s32 $0x0, s18;
	[sflag:s10] =	ssyncset.done $0x0  }
0x59: {  	[sflag:s10] =	ssyncadd.s32 s18  }
0x5a: {  	v1 =	vld [tilespmem:$0xF208];
	_ =	sdelay $0x4  }
0x5b: {  	(v2sf) =	vpush v1, $0x0  }
0x5c: {  	(v2sf) =	vpush v1, $0x1  }
0x5d: {  	(v2sf) =	vpush v1, $0x2;
	_ =	sdelay $0x3  }
0x5e: {  	s18 =	sadd.s32 $0xF0, s17  }
0x5f: {  	p1 =	slt.s32 s8, s18  }
0x60: {  	s18 =	smov.u32 @p1 s8  }
0x61: {  	s18 =	ssub.s32 s18, s17  }
0x62: {  	p1 =	slt.s32 s20, s18  }
0x63: {  	s18 =	smov.u32 @p1 s20  }
0x64: {  	s21 =	simm.s32 $0x1;
	p1 =	slt.s32 s18, $0x1  }
.Ltmp4:
0x65: {  	s21 =	simm.s32 @!p0 $0x0;
	(pc) =	sbr.rel @p1 .LBB2_8-.Ltmp4, $4  }
0x66: {  	s31 =	smul.u32 $0x3C0, s21  }
0x67: {  	s22 =	spop (v2sf)  }
0x68: {  	s17 =	sshrl.u32 s31, $0x2;
	s24 =	spop (v2sf)  }
0x69: {  	s19 =	sadd.s32 $0x10248, s17;
	s17 =	spop (v2sf)  }
0x6a: {  	s20 =	smin.u32 s18, $0x10  }
0x6b: {  	v1 =	vmov s20  }
0x6c: {  	p2 =	sgt.s32 s18, $0x10;
	vm1 =	vgt.u32 v1, v0  }
.Ltmp5:
0x6d: {  	_ = 	snop;
	(pc) =	sbr.rel @!p2 .LBB2_7-.Ltmp5, $2  }
0x6e: {  	_ =	sdelay $0x2  }
0x6f: {  	s23 =	simm.s32 $0x10;
	s25 =	sadd.s32 $0xFFFFFFF0, s18;
	s20 =	smov.u32 s19;
	vm0 =	vmmov vm1  }
.LBB2_6:
0x70: {  	s26 =	smin.u32 s25, $0x10;
	s23 =	sadd.s32 $0x10, s23;
	v1 =	vld.msk [tilespmem:s20+$0x0 ss:$0x1], vm1  }
0x71: {  	v2 =	vmov s26;
	p2 =	slt.s32 s23, s18  }
0x72: {  	vm1 =	vgt.u32 v2, v0  }
.Ltmp6:
0x73: {  	(pc) =	sbr.rel @p2 .LBB2_6-.Ltmp6, $3  }
0x74: {  	_ =	sdelay $0x1  }
0x75: {  	v1 =	vshll.u32 v1, $0x4  }
0x76: {  	s25 =	sadd.s32 $0xFFFFFFF0, s25;
	[tilespmem:s20+$0x0] =	vst.msk vm0, v1;
	s20 =	sadd.s32 $0x10, s20;
	vm0 =	vmmov vm1  }
.LBB2_7:
0x77: {  	_ =	sdelay $0x4  }
0x78: {  	v1 =	vld.msk [tilespmem:s20+$0x0 ss:$0x1], vm1;
	_ =	sdelay $0x4  }
0x79: {  	v1 =	vshll.u32 v1, $0x4  }
0x7a: {  	[tilespmem:s20+$0x0] =	vst.msk vm0, v1  }
.LBB2_8:
0x7b: {  	s20 =	sand.u32 $0x1, s16  }
0x7c: {  	s20 =	smul.u32 $0xF0, s20  }
0x7d: {  	p2 =	sne.s32 s24, $0xFFFFFFFF  }
0x7e: {  	v1 =	vld.msk @!p2 [tilespmem:s20+$0x10248], $0x1;
	_ =	sdelay $0x4  }
0x7f: {  	(v2sf) =	vpush @!p2 v1, $0x0;
	_ =	sdelay $0xc  }
.Ltmp7:
0x80: {  	_ = 	snop;
	(pc) =	sbr.rel @p1 .LBB2_19-.Ltmp7, $4  }
0x81: {  	_ = 	snop  }
0x82: {  	s23 =	spop @!p2 (v2sf)  }
0x83: {  	s17 =	simm.s32 @!p2 $0x0;
	s20 =	smov.u32 s23  }
0x84: {  	[sflag:s14] =	ssyncpa.u1 $0x0;
	s23 =	smov.u32 @p2 s22;
	s20 =	smov.u32 @p2 s24  }
0x85: {  	v1 =	vld.msk [tilespmem:s19+$0x0], $0x1;
	_ =	sdelay $0x4  }
0x86: {  	(v2sf) =	vpush v1, $0x0;
	_ =	sdelay $0xe  }
0x87: {  	s26 =	spop (v2sf)  }
0x88: {  	p1 =	seq.s32 s23, s26  }
0x89: {  	p2 =	sgt.s32 @!p1 s23, $0x0  }
0x8a: {  	s25 =	smov.u32 s23;
	s24 =	sadd.s32 $0xFFFFFFFF, s18;
	p2 =	por !p2, p1  }
0x8b: {  	s21 =	smul.u32 $0x1E000, s21;
	s25 =	simm.s32 @p2 $0x0;
	p2 =	sne.s32 s24, $0x0  }
.Ltmp8:
0x8c: {  	_ = 	snop;
	(pc) =	sbr.rel @!p2 .LBB2_11-.Ltmp8, $4  }
0x8d: {  	s22 =	simm.s32 $0x0;
	s21 =	sshrl.u32 s21, $0x2  }
0x8e: {  	s21 =	sor.u32 $0x10468, s21;
	s28 =	simm.s32 @!p1 $0x1;
	s25 =	smin.u32 @!p1 s25, $0x270F0  }
0x8f: {  	s29 =	simm.s32 @!p1 $0x7988;
	s28 =	smov.u32 @p1 s22;
	s31 =	sand.u32 @!p1 $0x3FFF8, s25  }
0x90: {  	s30 =	sand.u32 @!p1 $0x7, s25;
	s25 =	sadd.s32 $0x1, s19;
	s31 =	sadd.s32 @!p1 s1, s31  }
.LBB2_10:
0x91: {  	s0 =	smov.u32 s28  }
0x92: {  	[tilespmem:s29], [sflag:$0x2] =	stream.linear.gather @!p1 [hbm4b:s31+s30], $0x80, $0x38;
	[tilespmem:$0x1F428] =	vst v63  }
0x93: {  	s24 =	sadd.s32 $0xFFFFFFFF, s24;
	s30 =	smov.u32 s26;
	v1 =	vld.msk [tilespmem:s25+$0x0], $0x1  }
0x94: {  	p2 =	sne.s32 s24, $0x0;
	_ =	sdelay $0x3  }
0x95: {  	(v2sf) =	vpush v1, $0x0;
	_ =	sdelay $0xe  }
0x96: {  	s26 =	spop (v2sf)  }
0x97: {  	p1 =	seq.s32 s30, s26  }
0x98: {  	p3 =	sgt.s32 @!p1 s30, $0x0;
	s29 =	sshll.u32 @!p1 s28, $0x9;
	s28 =	sadd.s32 @!p1 $0x1, s28  }
.Ltmp9:
0x99: {  	p3 =	por !p3, p1;
	s29 =	sshra.s32 @!p1 s29, $0x2;
	(pc) =	sbr.rel @p2 .LBB2_10-.Ltmp9, $4  }
0x9a: {  	s28 =	smov.u32 @p1 s0;
	s30 =	simm.s32 @p3 $0x0;
	s29 =	sadd.s32 @!p1 $0x7988, s29  }
0x9b: {  	s0 =	smin.u32 @!p1 s30, $0x270F0  }
0x9c: {  	s31 =	sand.u32 @!p1 $0x3FFF8, s0;
	s30 =	sand.u32 @!p1 $0x7, s0  }
0x9d: {  	s25 =	sadd.s32 $0x1, s25;
	s31 =	sadd.s32 @!p1 s1, s31  }
.LBB2_11:
0x9e: {  	[tilespmem:s29], [sflag:$0x2] =	stream.linear.gather @!p1 [hbm4b:s31+s30], $0x80, $0x38;
	[tilespmem:$0x1F428] =	vst v63  }
.Ltmp10:
0x9f: {  	s0 =	sshll.u32 s28, $0x7;
	(pc) =	sbr.rel .LBB2_12-.Ltmp10, $4  }
0xa0: {  	s0 =	sand.u32 $0x3FFFFF80, s0  }
0xa1: {  	_ =	swait.ge [sflag:s9], s0  }
0xa2: {  	s0 =	ssub.s32 $0x0, s0;
	[sflag:s9] =	ssyncset.done $0x0  }
0xa3: {  	s25 =	simm.s32 $0x0;
	[sflag:s9] =	ssyncadd.s32 s0  }
.LBB2_13:
0xa4: {  	v1 =	vld [tilespmem:s21+$0xFFFFFFC0];
	_ =	sdelay $0x3  }
0xa5: {  	s0 =	sshra.s32 s26, $0x2  }
0xa6: {  	[tilespmem:s0+$0x108] =	vst.add.f32.msk $0xffff, v1  }
0xa7: {  	v1 =	vld [tilespmem:s21+$0xFFFFFFD0];
	_ =	sdelay $0x4  }
0xa8: {  	[tilespmem:s0+$0x118] =	vst.add.f32.msk $0xffff, v1  }
0xa9: {  	v1 =	vld [tilespmem:s21+$0xFFFFFFE0];
	_ =	sdelay $0x4  }
0xaa: {  	[tilespmem:s0+$0x128] =	vst.add.f32.msk $0xffff, v1  }
0xab: {  	v1 =	vld [tilespmem:s21+$0xFFFFFFF0];
	_ =	sdelay $0x4  }
0xac: {  	[tilespmem:s0+$0x138] =	vst.add.f32.msk $0xffff, v1  }
0xad: {  	v1 =	vld [tilespmem:s21+$0x0];
	_ =	sdelay $0x4  }
0xae: {  	[tilespmem:s0+$0x148] =	vst.add.f32.msk $0xffff, v1  }
0xaf: {  	v1 =	vld [tilespmem:s21+$0x10];
	_ =	sdelay $0x4  }
0xb0: {  	[tilespmem:s0+$0x158] =	vst.add.f32.msk $0xffff, v1  }
0xb1: {  	v1 =	vld [tilespmem:s21+$0x20];
	_ =	sdelay $0x4  }
0xb2: {  	[tilespmem:s0+$0x168] =	vst.add.f32.msk $0xffff, v1  }
0xb3: {  	v1 =	vld [tilespmem:s21+$0x30];
	_ =	sdelay $0x4  }
0xb4: {  	[tilespmem:s0+$0x178] =	vst.add.f32.msk $0xffff, v1  }
.LBB2_17:
0xb5: {  	s18 =	sadd.s32 $0xFFFFFFFF, s18  }
0xb6: {  	p1 =	sne.s32 s18, $0x0  }
.Ltmp11:
0xb7: {  	_ = 	snop;
	(pc) =	sbr.rel @!p1 .LBB2_18-.Ltmp11, $2  }
0xb8: {  	_ =	sdelay $0x2  }
0xb9: {  	s19 =	sadd.s32 $0x1, s19;
	s21 =	sadd.s32 $0x80, s21;
	s23 =	smov.u32 s24  }
.LBB2_12:
0xba: {  	v1 =	vld.msk [tilespmem:s19+$0x0], $0x1;
	_ =	sdelay $0x4  }
0xbb: {  	(v2sf) =	vpush v1, $0x0;
	_ =	sdelay $0xe  }
0xbc: {  	s24 =	spop (v2sf)  }
0xbd: {  	p1 =	sne.s32 s23, s24  }
.Ltmp12:
0xbe: {  	_ = 	snop;
	(pc) =	sbr.rel @!p1 .LBB2_13-.Ltmp12, $2  }
0xbf: {  	_ =	sdelay $0x2  }
0xc0: {  	s26 =	sshll.u32 s17, $0x9  }
0xc1: {  	p1 =	seq.s32 s23, s20  }
.Ltmp13:
0xc2: {  	_ = 	snop;
	(pc) =	sbr.rel @!p1 .LBB2_15-.Ltmp13, $1  }
0xc3: {  	_ =	sdelay $0x3  }
0xc4: {  	s0 =	sshra.s32 s26, $0x2  }
.Ltmp14:
0xc5: {  	s0 =	sadd.s32 $0x108, s0;
	(pc) =	sbr.rel .LBB2_16-.Ltmp14, $4  }
0xc6: {  	[spmem:s13] =	stream.linear.scatter [tilespmem:s0], [sflag:$0x1], $0x80, $0x38;
	[tilespmem:$0x1F428] =	vst v63  }
0xc7: {  	_ =	swait.ge [sflag:s11], $0x80  }
0xc8: {  	[sflag:s11] =	ssyncset.done $0x0  }
0xc9: {  	[sflag:s11] =	ssyncadd.s32 $0xFFFFFF80  }
.LBB2_15:
0xca: {  	s0 =	sshll.u32 s22, $0x9  }
0xcb: {  	s0 =	sshra.s32 s0, $0x2  }
0xcc: {  	v1 =	vld [tilespmem:s0+$0x7988];
	_ =	sdelay $0x3  }
0xcd: {  	s26 =	sshra.s32 s26, $0x2  }
0xce: {  	[tilespmem:s26+$0x108] =	vst.add.f32.msk $0xffff, v1  }
0xcf: {  	v1 =	vld [tilespmem:s0+$0x7998];
	_ =	sdelay $0x4  }
0xd0: {  	[tilespmem:s26+$0x118] =	vst.add.f32.msk $0xffff, v1  }
0xd1: {  	v1 =	vld [tilespmem:s0+$0x79A8];
	_ =	sdelay $0x4  }
0xd2: {  	[tilespmem:s26+$0x128] =	vst.add.f32.msk $0xffff, v1  }
0xd3: {  	v1 =	vld [tilespmem:s0+$0x79B8];
	_ =	sdelay $0x4  }
0xd4: {  	[tilespmem:s26+$0x138] =	vst.add.f32.msk $0xffff, v1  }
0xd5: {  	v1 =	vld [tilespmem:s0+$0x79C8];
	_ =	sdelay $0x4  }
0xd6: {  	[tilespmem:s26+$0x148] =	vst.add.f32.msk $0xffff, v1  }
0xd7: {  	v1 =	vld [tilespmem:s0+$0x79D8];
	_ =	sdelay $0x4  }
0xd8: {  	[tilespmem:s26+$0x158] =	vst.add.f32.msk $0xffff, v1  }
0xd9: {  	v1 =	vld [tilespmem:s0+$0x79E8];
	_ =	sdelay $0x4  }
0xda: {  	[tilespmem:s26+$0x168] =	vst.add.f32.msk $0xffff, v1  }
0xdb: {  	v1 =	vld [tilespmem:s0+$0x79F8];
	_ =	sdelay $0x2  }
0xdc: {  	p1 =	sgt.u32 s23, $0x270F0  }
0xdd: {  	s0 =	sand.u32 @!p1 $0x3FFF8, s23  }
0xde: {  	s28 =	sadd.s32 $0x108, s26;
	s23 =	sand.u32 @!p1 $0x7, s23;
	s0 =	sadd.s32 @!p1 s1, s0;
	[tilespmem:s26+$0x178] =	vst.add.f32.msk $0xffff, v1  }
0xdf: {  	[hbm4b:s0+s23] =	stream.linear.scatter @!p1 [tilespmem:s28], [sflag:$0xA], $0x80, $0x38;
	[tilespmem:$0x1F428] =	vst v63  }
0xe0: {  	s23 =	simm.s32 $0x0  }
0xe1: {  	s23 =	simm.s32 @!p1 $0x200  }
0xe2: {  	s25 =	sadd.s32 s23, s25  }
.LBB2_16:
0xe3: {  	s0 =	sadd.s32 $0x1, s17  }
0xe4: {  	s17 =	smulhi.u32 $0x88888889, s0;
	_ =	sdelay $0x1  }
0xe5: {  	v1 =	vld [tilespmem:s21+$0xFFFFFFC0];
	s17 =	sshrl.u32 s17, $0x7  }
0xe6: {  	s17 =	smul.u32 $0xF0, s17;
	_ =	sdelay $0x1  }
0xe7: {  	s17 =	ssub.s32 s0, s17  }
0xe8: {  	s0 =	sshll.u32 s17, $0x7  }
0xe9: {  	[tilespmem:s0+$0x108] =	vst v1  }
0xea: {  	v1 =	vld [tilespmem:s21+$0xFFFFFFD0];
	_ =	sdelay $0x4  }
0xeb: {  	[tilespmem:s0+$0x118] =	vst v1  }
0xec: {  	v1 =	vld [tilespmem:s21+$0xFFFFFFE0];
	_ =	sdelay $0x4  }
0xed: {  	[tilespmem:s0+$0x128] =	vst v1  }
0xee: {  	v1 =	vld [tilespmem:s21+$0xFFFFFFF0];
	_ =	sdelay $0x4  }
0xef: {  	[tilespmem:s0+$0x138] =	vst v1  }
0xf0: {  	v1 =	vld [tilespmem:s21+$0x0];
	_ =	sdelay $0x4  }
0xf1: {  	[tilespmem:s0+$0x148] =	vst v1  }
0xf2: {  	v1 =	vld [tilespmem:s21+$0x10];
	_ =	sdelay $0x4  }
0xf3: {  	[tilespmem:s0+$0x158] =	vst v1  }
0xf4: {  	v1 =	vld [tilespmem:s21+$0x20];
	_ =	sdelay $0x4  }
0xf5: {  	[tilespmem:s0+$0x168] =	vst v1  }
0xf6: {  	v1 =	vld [tilespmem:s21+$0x30]  }
.Ltmp15:
0xf7: {  	_ = 	snop;
	(pc) =	sbr.rel .LBB2_17-.Ltmp15, $2  }
0xf8: {  	_ =	sdelay $0x2  }
0xf9: {  	s22 =	sadd.s32 $0x1, s22;
	[tilespmem:s0+$0x178] =	vst v1  }
.LBB2_19:
.Ltmp16:
0xfa: {  	(pc) =	sbr.rel .LBB2_20-.Ltmp16, $3  }
0xfb: {  	_ =	sdelay $0x1  }
0xfc: {  	_ =	swait.ge [sflag:s9], $0x0  }
0xfd: {  	s18 =	simm.s32 $0x0;
	s24 =	smov.u32 s23;
	[sflag:s9] =	ssyncset.done $0x0  }
.LBB2_22:
0xfe: {  	_ =	sfence.sel $0x180000  }
0xff: {  	s0 =	simm.s32 $0x9;
	[bflag:$0x0] =	sbarrier.arrive $0xFFFF  }
0x100: {  	s26 =	simm.s32 $0x2;
	[sflag:s0] =	ssyncpa.u1 $0x1  }
0x101: {  	[sflag:s26] =	ssyncpa.u1 $0x1  }
0x102: {  	v0 =	vld [tilespmem:$0xF208];
	_ =	sdelay $0x4  }
0x103: {  	(v2sf) =	vpush v0, $0x0  }
0x104: {  	(v2sf) =	vpush v0, $0x1;
	_ =	sdelay $0x1  }
0x105: {  	(v2sf) =	vpush v0, $0x2;
	_ =	sdelay $0xb  }
0x106: {  	s0 =	spop (v2sf)  }
0x107: {  	s5 =	spop (v2sf)  }
0x108: {  	s6 =	smov.u32 s0;
	p0 =	sne.s32 s0, s5  }
0x109: {  	s7 =	spop (v2sf);
	s6 =	simm.s32 @!p0 $0xFFFFFFFF  }
0x10a: {  	v2 =	vimm.s32 $0x1;
	v3 =	vlaneseq.u32;
	p0 =	seq.s32 s7, $0xFFFFFFFF;
	v1 =	vmov s6  }
0x10b: {  	v0 =	vperm.xlane v0, v2;
	p1 =	sne.s32 @!p0 s0, s5;
	v1 =	vperm.xlane v1, v3  }
0x10c: {  	vm0 =	vcmask $0x3F04;
	s9 =	simm.s32 $0xF208;
	s0 =	simm.s32 @!p0 $0x1;
	p1 =	por !p1, p0  }
0x10d: {  	s6 =	sshll.u32 s2, $0x1;
	s5 =	sshll.u32 @!p0 s7, $0x9;
	s0 =	simm.s32 @p1 $0x0;
	v0 =	vsel vm0, v1, v0  }
0x10e: {  	s8 =	sor.u32 $0x1000, s6;
	s5 =	sshra.s32 @!p0 s5, $0x2;
	s0 =	sor.u32 @!p0 s0, s6;
	[tilespmem:$0xF208] =	vst v0  }
0x10f: {  	[spmem:s8] =	stream.linear.scatter [tilespmem:s9], [sflag:$0x1], $0x2, $0x38;
	[tilespmem:$0x1F428] =	vst v63  }
0x110: {  	s5 =	sadd.s32 @!p0 $0x108, s5;
	s0 =	sshll.u32 @!p0 s0, $0x7  }
0x111: {  	[spmem:s0] =	stream.linear.scatter @!p0 [tilespmem:s5], [sflag:$0x1], $0x80, $0x38;
	[tilespmem:$0x1F428] =	vst v63  }
0x112: {  	s0 =	simm.s32 @!p0 $0x82  }
0x113: {  	s28 =	simm.s32 $0x1;
	s0 =	simm.s32 @p0 $0x2  }
0x114: {  	_ =	swait.ge [sflag:s28], s0  }
0x115: {  	s0 =	ssub.s32 $0x0, s0;
	[sflag:s28] =	ssyncset.done $0x0  }
0x116: {  	p0 =	sne.s32 s2, $0x0;
	[sflag:s28] =	ssyncadd.s32 s0  }
.Ltmp17:
0x117: {  	_ =	sfence.stream.spmem;
	(pc) =	sbr.rel @p0 .LBB2_39-.Ltmp17, $4  }
0x118: {  	s29 =	simm.s32 $0x3;
	[bflag:$0x0] =	sbarrier.arrive $0xFFFF  }
0x119: {  	s30 =	simm.s32 $0x4;
	[sflag:s29] =	ssyncpa.u1 $0x1  }
0x11a: {  	s31 =	simm.s32 $0x3C;
	[sflag:s30] =	ssyncpa.u1 $0x1  }
0x11b: {  	s5 =	sand.u32 $0x1, s4;
	[sflag:s31] =	ssyncpa.u1 $0x1  }
0x11c: {  	_ =	sfence.stream.spmem;
	s0 =	simm.s32 $0x5  }
0x11d: {  	s6 =	simm.s32 $0x1000;
	s7 =	simm.s32 $0xF218;
	[sflag:s0] =	ssyncpa.u1 $0x0  }
0x11e: {  	[tilespmem:s7], [sflag:$0x5] =	stream.linear.gather [spmem:s6], $0x20, $0x38;
	[tilespmem:$0x1F428] =	vst v63  }
0x11f: {  	s26 =	simm.s32 $0x0;
	s28 =	simm.s32 $0xF238  }
0x120: {  	[tilespmem:s28], [sflag:$0x5] =	stream.linear.gather [spmem:s26], $0x1000, $0x38;
	[tilespmem:$0x1F428] =	vst v63  }
0x121: {  	_ =	swait.ge [sflag:s0], $0x1020  }
0x122: {  	[sflag:s0] =	ssyncset.done $0x0  }
0x123: {  	s29 =	simm.s32 $0x0;
	[sflag:s0] =	ssyncadd.s32 $0xFFFFEFE0  }
0x124: {  	v0 =	vld.msk [tilespmem:s29+$0xF218], $0x1;
	_ =	sdelay $0x1  }
0x125: {  	s30 =	simm.s32 $0x1  }
0x126: {  	v1 =	vld.msk [tilespmem:s30+$0xF218], $0x1;
	_ =	sdelay $0x1  }
0x127: {  	(v2sf) =	vpush v0, $0x0;
	_ =	sdelay $0x2  }
0x128: {  	(v2sf) =	vpush v1, $0x0;
	_ =	sdelay $0x2  }
0x129: {  	s31 =	simm.s32 $0x2  }
0x12a: {  	v0 =	vld.msk [tilespmem:s31+$0xF218], $0x1;
	_ =	sdelay $0x2  }
0x12b: {  	s8 =	simm.s32 $0xFFFFFFFF;
	s7 =	simm.s32 $0xFFFFFFFF;
	s6 =	simm.s32 $0xC  }
.LBB2_24:
0x12c: {  	s0 =	smov.u32 s8;
	s9 =	smov.u32 s7  }
0x12d: {  	s7 =	sshra.s32 s6, $0x2;
	p1 =	sne.s32 s6, $0x7C;
	s6 =	sadd.s32 $0x4, s6;
	(v2sf) =	vpush v0, $0x0  }
0x12e: {  	v0 =	vld.msk [tilespmem:s7+$0xF218], $0x1  }
.Ltmp18:
0x12f: {  	(pc) =	sbr.rel @p1 .LBB2_24-.Ltmp18, $4  }
0x130: {  	s8 =	spop (v2sf)  }
0x131: {  	p2 =	sne.s32 s9, $0xFFFFFFFF;
	s7 =	smov.u32 s8  }
0x132: {  	p3 =	seq.s32 s8, $0xFFFFFFFF;
	s7 =	smov.u32 @p2 s9  }
0x133: {  	s8 =	smov.u32 @p3 s0;
	s7 =	smov.u32 @p3 s9  }
0x134: {  	(v2sf) =	vpush v0, $0x0;
	_ =	sdelay $0x8  }
0x135: {  	s0 =	spop (v2sf)  }
0x136: {  	p1 =	sne.s32 s7, $0xFFFFFFFF;
	s6 =	smov.u32 s0  }
0x137: {  	s9 =	simm.s32 $0x6;
	p2 =	seq.s32 s0, $0xFFFFFFFF;
	s6 =	smov.u32 @p1 s7  }
0x138: {  	[sflag:s9] =	ssyncpa.u1 $0x0;
	s6 =	smov.u32 @p2 s7;
	s10 =	spop (v2sf)  }
0x139: {  	s0 =	smov.u32 @p2 s8;
	p1 =	sne.s32 s6, $0xFFFFFFFF;
	s11 =	smov.u32 s10  }
.Ltmp19:
0x13a: {  	p2 =	seq.s32 s10, $0xFFFFFFFF;
	s11 =	smov.u32 @p1 s6;
	(pc) =	sbr.rel .LBB2_26-.Ltmp19, $4  }
0x13b: {  	s10 =	smov.u32 @p2 s0;
	s11 =	smov.u32 @p2 s6;
	s7 =	spop (v2sf)  }
0x13c: {  	p1 =	sne.s32 s11, $0xFFFFFFFF;
	s8 =	smov.u32 s7;
	p2 =	seq.s32 s7, $0xFFFFFFFF  }
0x13d: {  	s6 =	simm.s32 $0x0;
	s8 =	smov.u32 @p1 s11;
	s7 =	smov.u32 @p2 s10  }
0x13e: {  	s10 =	simm.s32 $0xF188;
	s8 =	smov.u32 @p2 s11;
	s11 =	simm.s32 $0x0  }
.LBB2_32:
0x13f: {  	p1 =	sgt.u32 s12, $0x270F0  }
0x140: {  	p2 =	seq.s32 @!p1 s12, s8  }
0x141: {  	p1 =	por p1, p2  }
0x142: {  	p2 =	sne.s32 @!p1 s12, s7  }
0x143: {  	p1 =	por p1, !p2  }
0x144: {  	s12 =	sshll.u32 @p1 s11, $0x9  }
0x145: {  	s0 =	sand.u32 @!p1 $0x3FFF8, s12  }
0x146: {  	s12 =	sand.u32 @!p1 $0x7, s12;
	s0 =	sadd.s32 @!p1 s1, s0  }
0x147: {  	[tilespmem:s10], [sflag:$0x6] =	stream.linear.gather @!p1 [hbm4b:s0+s12], $0x80, $0x38;
	[tilespmem:$0x1F428] =	vst v63  }
0x148: {  	_ =	swait.ge @!p1 [sflag:s9], $0x80  }
0x149: {  	[sflag:s9] =	ssyncset.done @!p1 $0x0  }
0x14a: {  	[sflag:s9] =	ssyncadd.s32 @!p1 $0xFFFFFF80  }
0x14b: {  	v1 =	vld @!p1 [tilespmem:$0xF188];
	_ =	sdelay $0x2  }
0x14c: {  	s12 =	sshll.u32 @!p1 s11, $0x9  }
0x14d: {  	s0 =	sshrl.u32 @!p1 s12, $0x2  }
0x14e: {  	[tilespmem:s0+$0xF238] =	vst.add.f32.msk @!p1 $0xffff, v1  }
0x14f: {  	v1 =	vld @!p1 [tilespmem:$0xF198];
	_ =	sdelay $0x4  }
0x150: {  	[tilespmem:s0+$0xF248] =	vst.add.f32.msk @!p1 $0xffff, v1  }
0x151: {  	v1 =	vld @!p1 [tilespmem:$0xF1A8];
	_ =	sdelay $0x4  }
0x152: {  	[tilespmem:s0+$0xF258] =	vst.add.f32.msk @!p1 $0xffff, v1  }
0x153: {  	v1 =	vld @!p1 [tilespmem:$0xF1B8];
	_ =	sdelay $0x4  }
0x154: {  	[tilespmem:s0+$0xF268] =	vst.add.f32.msk @!p1 $0xffff, v1  }
0x155: {  	v1 =	vld @!p1 [tilespmem:$0xF1C8];
	_ =	sdelay $0x4  }
0x156: {  	[tilespmem:s0+$0xF278] =	vst.add.f32.msk @!p1 $0xffff, v1  }
0x157: {  	v1 =	vld @!p1 [tilespmem:$0xF1D8];
	_ =	sdelay $0x4  }
0x158: {  	[tilespmem:s0+$0xF288] =	vst.add.f32.msk @!p1 $0xffff, v1  }
0x159: {  	v1 =	vld @!p1 [tilespmem:$0xF1E8];
	_ =	sdelay $0x4  }
0x15a: {  	[tilespmem:s0+$0xF298] =	vst.add.f32.msk @!p1 $0xffff, v1  }
0x15b: {  	v1 =	vld @!p1 [tilespmem:$0xF1F8];
	_ =	sdelay $0x4  }
0x15c: {  	[tilespmem:s0+$0xF2A8] =	vst.add.f32.msk @!p1 $0xffff, v1  }
0x15d: {  	s30 =	sshrl.u32 s12, $0x2;
	[tilespmem:s6+$0xF218] =	vst.msk $0x1, v0  }
0x15e: {  	v0 =	vld [tilespmem:s30+$0xF238];
	_ =	sdelay $0x2  }
0x15f: {  	s31 =	sshll.u32 s6, $0x9  }
0x160: {  	s12 =	sshra.s32 s31, $0x2  }
0x161: {  	[tilespmem:s12+$0xF238] =	vst v0  }
0x162: {  	v0 =	vld [tilespmem:s30+$0xF248];
	_ =	sdelay $0x4  }
0x163: {  	[tilespmem:s12+$0xF248] =	vst v0  }
0x164: {  	v0 =	vld [tilespmem:s30+$0xF258];
	_ =	sdelay $0x4  }
0x165: {  	[tilespmem:s12+$0xF258] =	vst v0  }
0x166: {  	v0 =	vld [tilespmem:s30+$0xF268];
	_ =	sdelay $0x4  }
0x167: {  	[tilespmem:s12+$0xF268] =	vst v0  }
0x168: {  	v0 =	vld [tilespmem:s30+$0xF278];
	_ =	sdelay $0x4  }
0x169: {  	[tilespmem:s12+$0xF278] =	vst v0  }
0x16a: {  	v0 =	vld [tilespmem:s30+$0xF288];
	_ =	sdelay $0x4  }
0x16b: {  	[tilespmem:s12+$0xF288] =	vst v0  }
0x16c: {  	v0 =	vld [tilespmem:s30+$0xF298];
	_ =	sdelay $0x4  }
0x16d: {  	[tilespmem:s12+$0xF298] =	vst v0  }
0x16e: {  	v0 =	vld [tilespmem:s30+$0xF2A8];
	_ =	sdelay $0x4  }
0x16f: {  	s6 =	sadd.s32 $0x1, s6;
	[tilespmem:s12+$0xF2A8] =	vst v0  }
.LBB2_33:
0x170: {  	s11 =	sadd.s32 $0x1, s11  }
0x171: {  	p1 =	sne.s32 s11, $0x20  }
.Ltmp20:
0x172: {  	_ = 	snop;
	(pc) =	sbr.rel @!p1 .LBB2_34-.Ltmp20, $1  }
0x173: {  	_ =	sdelay $0x3  }
.LBB2_26:
0x174: {  	v0 =	vld.msk [tilespmem:s11+$0xF218], $0x1;
	_ =	sdelay $0x4  }
0x175: {  	(v2sf) =	vpush v0, $0x0;
	_ =	sdelay $0xe  }
0x176: {  	s12 =	spop (v2sf)  }
0x177: {  	p1 =	seq.s32 s12, $0xFFFFFFFF  }
.Ltmp21:
0x178: {  	_ = 	snop;
	(pc) =	sbr.rel @p1 .LBB2_33-.Ltmp21, $1  }
0x179: {  	_ =	sdelay $0x3  }
0x17a: {  	p1 =	slt.s32 s6, $0x1  }
.Ltmp22:
0x17b: {  	_ = 	snop;
	(pc) =	sbr.rel @p1 .LBB2_32-.Ltmp22, $1  }
0x17c: {  	_ =	sdelay $0x3  }
0x17d: {  	s13 =	simm.s32 $0xF218;
	p1 =	por $0x0, $0x0  }
0x17e: {  	v1 =	vld.msk @!p1 [tilespmem:s13+$0x0], $0x1;
	_ =	sdelay $0x4  }
0x17f: {  	(v2sf) =	vpush @!p1 v1, $0x0;
	_ =	sdelay $0xd  }
0x180: {  	p3 =	sne.s32 s6, $0x1  }
.Ltmp23:
0x181: {  	s0 =	spop @!p1 (v2sf);
	(pc) =	sbr.rel @!p3 .LBB2_30-.Ltmp23, $4  }
0x182: {  	p2 =	seq.s32 @!p1 s12, s0  }
0x183: {  	s14 =	simm.s32 $0x0;
	p2 =	por !p2, p1  }
0x184: {  	s0 =	simm.s32 $0xFFFFFFFF;
	s14 =	simm.s32 @p2 $0xFFFFFFFF  }
0x185: {  	s15 =	simm.s32 $0x1;
	s14 =	smov.u32 @p1 s0  }
.LBB2_29:
0x186: {  	s0 =	smov.u32 s14;
	p1 =	sne.s32 s14, $0xFFFFFFFF  }
0x187: {  	s13 =	sadd.s32 $0x1, s13;
	s14 =	smov.u32 s15;
	s15 =	sadd.s32 $0x1, s15  }
0x188: {  	p2 =	sne.s32 s6, s15;
	v1 =	vld.msk @!p1 [tilespmem:s13+$0x0], $0x1;
	_ =	sdelay $0x4  }
0x189: {  	(v2sf) =	vpush @!p1 v1, $0x0;
	_ =	sdelay $0xe  }
.Ltmp24:
0x18a: {  	s16 =	spop @!p1 (v2sf);
	(pc) =	sbr.rel @p2 .LBB2_29-.Ltmp24, $4  }
0x18b: {  	p3 =	seq.s32 @!p1 s12, s16  }
0x18c: {  	p3 =	por !p3, p1  }
0x18d: {  	s14 =	simm.s32 @p3 $0xFFFFFFFF  }
0x18e: {  	s14 =	smov.u32 @p1 s0  }
.LBB2_30:
0x18f: {  	p1 =	seq.s32 s14, $0xFFFFFFFF  }
.Ltmp25:
0x190: {  	_ = 	snop;
	(pc) =	sbr.rel @p1 .LBB2_32-.Ltmp25, $1  }
0x191: {  	_ =	sdelay $0x3  }
0x192: {  	s0 =	sshll.u32 s11, $0x7  }
0x193: {  	s0 =	sand.u32 $0x3FFFFF80, s0  }
0x194: {  	v0 =	vld [tilespmem:s0+$0xF238];
	_ =	sdelay $0x2  }
0x195: {  	s12 =	sshll.u32 s14, $0x9  }
0x196: {  	s12 =	sshra.s32 s12, $0x2  }
0x197: {  	[tilespmem:s12+$0xF238] =	vst.add.f32.msk $0xffff, v0  }
0x198: {  	v0 =	vld [tilespmem:s0+$0xF248];
	_ =	sdelay $0x4  }
0x199: {  	[tilespmem:s12+$0xF248] =	vst.add.f32.msk $0xffff, v0  }
0x19a: {  	v0 =	vld [tilespmem:s0+$0xF258];
	_ =	sdelay $0x4  }
0x19b: {  	[tilespmem:s12+$0xF258] =	vst.add.f32.msk $0xffff, v0  }
0x19c: {  	v0 =	vld [tilespmem:s0+$0xF268];
	_ =	sdelay $0x4  }
0x19d: {  	[tilespmem:s12+$0xF268] =	vst.add.f32.msk $0xffff, v0  }
0x19e: {  	v0 =	vld [tilespmem:s0+$0xF278];
	_ =	sdelay $0x4  }
0x19f: {  	[tilespmem:s12+$0xF278] =	vst.add.f32.msk $0xffff, v0  }
0x1a0: {  	v0 =	vld [tilespmem:s0+$0xF288];
	_ =	sdelay $0x4  }
0x1a1: {  	[tilespmem:s12+$0xF288] =	vst.add.f32.msk $0xffff, v0  }
0x1a2: {  	v0 =	vld [tilespmem:s0+$0xF298];
	_ =	sdelay $0x4  }
0x1a3: {  	[tilespmem:s12+$0xF298] =	vst.add.f32.msk $0xffff, v0  }
0x1a4: {  	v0 =	vld [tilespmem:s0+$0xF2A8]  }
.Ltmp26:
0x1a5: {  	_ = 	snop;
	(pc) =	sbr.rel .LBB2_33-.Ltmp26, $2  }
0x1a6: {  	_ =	sdelay $0x2  }
0x1a7: {  	[tilespmem:s12+$0xF2A8] =	vst.add.f32.msk $0xffff, v0  }
.LBB2_34:
0x1a8: {  	s0 =	simm.s32 $0x6;
	p1 =	seq.s32 s6, $0x0  }
0x1a9: {  	[sflag:s0] =	ssyncpa.u1 $0x1;
	v0 =	vimm.s32 @p1 $0xFFFFFFFF  }
0x1aa: {  	s9 =	sadd.s32 $0xFFFFFFFF, s6;
	[tilespmem:$0x10238] =	vst @p1 v0  }
0x1ab: {  	v0 =	vld.msk @!p1 [tilespmem:s9+$0xF218], $0x1;
	_ =	sdelay $0x1  }
0x1ac: {  	v1 =	vld.msk @!p1 [tilespmem:$0xF218], $0x1;
	_ =	sdelay $0x2  }
0x1ad: {  	p2 =	seq.s32 @!p1 s9, $0x0;
	v0 =	vbroadcast @!p1 v0, $0x0  }
0x1ae: {  	vm0 =	vmmov @!p1 $0x1;
	p2 =	por !p2, p1  }
0x1af: {  	v1 =	vnsel @!p1 vm0, $0xFFFFFFFF, v1;
	vm0 =	vcmask @!p1 $0x308;
	v0 =	vpsel !p2, $0xFFFFFFFF, v0  }
0x1b0: {  	p2 =	sne.s32 @!p1 s8, s7;
	v0 =	vsel @!p1 vm0, v1, v0  }
0x1b1: {  	s0 =	simm.s32 @!p1 $0xF238;
	s7 =	simm.s32 @!p1 $0x0;
	p3 =	por !p2, p1;
	[tilespmem:$0x10238] =	vst @!p1 v0  }
0x1b2: {  	[spmem:s7] =	stream.linear.scatter @!p1 [tilespmem:s0], [sflag:$0x1], $0x80, $0x38;
	[tilespmem:$0x1F428] =	vst v63  }
0x1b3: {  	s0 =	sshll.u32 @!p3 s9, $0x9  }
0x1b4: {  	s0 =	sshra.s32 @!p3 s0, $0x2  }
0x1b5: {  	s7 =	simm.s32 @!p3 $0x80;
	s0 =	sadd.s32 @!p3 $0xF238, s0  }
0x1b6: {  	[spmem:s7] =	stream.linear.scatter @!p3 [tilespmem:s0], [sflag:$0x1], $0x80, $0x38;
	[tilespmem:$0x1F428] =	vst v63  }
0x1b7: {  	s0 =	simm.s32 @!p3 $0x1  }
0x1b8: {  	_ =	swait.ge @!p3 [sflag:s0], $0x100  }
0x1b9: {  	p1 =	por p2, p1;
	[sflag:s0] =	ssyncset.done @!p3 $0x0  }
0x1ba: {  	[sflag:s0] =	ssyncadd.s32 @!p3 $0xFFFFFF00;
	s0 =	simm.s32 @!p1 $0x1  }
0x1bb: {  	_ =	swait.ge @!p1 [sflag:s0], $0x80  }
0x1bc: {  	s29 =	simm.s32 $0x10238;
	[sflag:s0] =	ssyncset.done @!p1 $0x0  }
0x1bd: {  	s30 =	simm.s32 $0x1000;
	s31 =	simm.s32 $0x1;
	[sflag:s0] =	ssyncadd.s32 @!p1 $0xFFFFFF80  }
0x1be: {  	[spmem:s30] =	stream.linear.scatter [tilespmem:s29], [sflag:$0x1], $0x10, $0x38;
	[tilespmem:$0x1F428] =	vst v63  }
0x1bf: {  	p1 =	seq.s32 s5, $0x0;
	_ =	swait.ge [sflag:s31], $0x10  }
0x1c0: {  	s7 =	sshll.u32 @p1 s4, $0xE;
	[sflag:s31] =	ssyncset.done $0x0  }
0x1c1: {  	s0 =	sadd.s32 @p1 $0x15C3C, s7;
	s7 =	sshll.u32 @p1 s3, $0x11;
	[sflag:s31] =	ssyncadd.s32 $0xFFFFFFF0  }
0x1c2: {  	s0 =	sor.u32 @p1 s7, s0;
	_ =	sfence.stream.spmem  }
0x1c3: {  	[sflag:s0] =	ssyncadd.remote.s32 @p1 $0x1;
	s0 =	simm.s32 @p1 $0x4  }
0x1c4: {  	s8 =	simm.s32 @!p1 $0x3C;
	s7 =	sand.u32 $0xFFFFFFFE, s4;
	_ =	swait.ge @p1 [sflag:s0], $0x22  }
0x1c5: {  	s10 =	simm.s32 @!p1 $0x0;
	s7 =	sadd.s32 @!p1 $0x4, s7;
	[sflag:s0] =	ssyncset.done @p1 $0x0  }
0x1c6: {  	s11 =	simm.s32 @!p1 $0x100;
	[sflag:s0] =	ssyncadd.s32 @p1 $0xFFFFFFDE;
	s0 =	sshll.u32 @!p1 s7, $0x1A  }
0x1c7: {  	s7 =	sshll.u32 @!p1 s7, $0xD;
	s0 =	sor.u32 @!p1 s0, s3;
	_ =	swait.eq @!p1 [sflag:s8], $0x1  }
0x1c8: {  	s7 =	sor.u32 @!p1 $0x1C04, s7;
	s8 =	simm.s32 @!p1 $0x1C03;
	s0 =	sor.u32 @!p1 $0x80004000, s0  }
0x1c9: {  	[spmem:s11], [sflag:s7] =	dma.general @!p1 [spmem:s10], [sflag:s8], length:$0x20, [dreg:$0x0], stride_count:$0x0, ici_dest:s0, dma_misc:DstOpCode:WRITE  }
0x1ca: {  	p2 =	slt.s32 s9, $0x2;
	s10 =	simm.s32 @!p1 $0x200;
	s11 =	simm.s32 @!p1 $0x202  }
0x1cb: {  	[spmem:s11], [sflag:s7] =	dma.general @!p1 [spmem:s10], [sflag:s8], length:$0x2, [dreg:$0x0], stride_count:$0x0, ici_dest:s0, dma_misc:DstOpCode:WRITE  }
.Ltmp27:
0x1cc: {  	s0 =	simm.s32 @!p1 $0x3;
	(pc) =	sbr.rel @p2 .LBB2_38-.Ltmp27, $4  }
0x1cd: {  	s4 =	sshll.u32 @!p1 s4, $0xE;
	_ =	swait.ge @!p1 [sflag:s0], $0x22  }
0x1ce: {  	s4 =	sadd.s32 @!p1 $0x11C3C, s4;
	s3 =	sshll.u32 @!p1 s3, $0x11;
	[sflag:s0] =	ssyncset.done @!p1 $0x0  }
0x1cf: {  	[sflag:s0] =	ssyncadd.s32 @!p1 $0xFFFFFFDE;
	s0 =	sor.u32 @!p1 s3, s4  }
0x1d0: {  	s3 =	simm.s32 $0x0;
	[sflag:s0] =	ssyncadd.remote.s32 @!p1 $0xFFFFFFFF  }
0x1d1: {  	s0 =	simm.s32 $0xF219  }
0x1d2: {  	v0 =	vld.msk [tilespmem:s0+$0x0], $0x1;
	_ =	sdelay $0x4  }
0x1d3: {  	(v2sf) =	vpush v0, $0x0;
	_ =	sdelay $0xc  }
0x1d4: {  	s4 =	sadd.s32 $0xFFFFFFFE, s6  }
0x1d5: {  	s4 =	sadd.s32 $0xFFFFFFFF, s4  }
0x1d6: {  	p2 =	sne.s32 s4, $0x0;
	s0 =	spop (v2sf)  }
.Ltmp28:
0x1d7: {  	p1 =	sgt.u32 s0, $0x270F0;
	(pc) =	sbr.rel @!p2 .LBB2_37-.Ltmp28, $4  }
0x1d8: {  	s3 =	simm.s32 $0xF2B8;
	s6 =	sand.u32 @!p1 $0x3FFF8, s0  }
0x1d9: {  	s8 =	simm.s32 $0x0;
	s0 =	sand.u32 @!p1 $0x7, s0;
	s6 =	sadd.s32 @!p1 s1, s6  }
0x1da: {  	[hbm4b:s6+s0] =	stream.linear.scatter @!p1 [tilespmem:s3], [sflag:$0x5], $0x80, $0x38;
	[tilespmem:$0x1F428] =	vst v63  }
0x1db: {  	s7 =	simm.s32 $0xF21A;
	s8 =	simm.s32 @!p1 $0x200;
	s6 =	simm.s32 $0x0  }
.LBB2_36:
0x1dc: {  	v0 =	vld.msk [tilespmem:s7+$0x0], $0x1;
	s4 =	sadd.s32 $0xFFFFFFFF, s4;
	s6 =	sadd.s32 s6, s8  }
0x1dd: {  	p1 =	sne.s32 s4, $0x0;
	_ =	sdelay $0x3  }
0x1de: {  	(v2sf) =	vpush v0, $0x0;
	_ =	sdelay $0xe  }
.Ltmp29:
0x1df: {  	s0 =	spop (v2sf);
	(pc) =	sbr.rel @p1 .LBB2_36-.Ltmp29, $4  }
0x1e0: {  	s8 =	simm.s32 $0x0;
	p2 =	sgt.u32 s0, $0x270F0  }
0x1e1: {  	s3 =	sadd.s32 $0x80, s3;
	s8 =	simm.s32 @!p2 $0x200;
	s9 =	sand.u32 @!p2 $0x3FFF8, s0  }
0x1e2: {  	s7 =	sadd.s32 $0x1, s7;
	s0 =	sand.u32 @!p2 $0x7, s0;
	s9 =	sadd.s32 @!p2 s1, s9  }
0x1e3: {  	[hbm4b:s9+s0] =	stream.linear.scatter @!p2 [tilespmem:s3], [sflag:$0x5], $0x80, $0x38;
	[tilespmem:$0x1F428] =	vst v63  }
.LBB2_37:
0x1e4: {  	s0 =	sadd.s32 s6, s8  }
0x1e5: {  	s3 =	sshrl.u32 s0, $0x2  }
.LBB2_38:
0x1e6: {  	s0 =	simm.s32 $0x5  }
0x1e7: {  	_ =	swait.ge [sflag:s0], s3  }
0x1e8: {  	s31 =	ssub.s32 $0x0, s3;
	[sflag:s0] =	ssyncset.done $0x0  }
0x1e9: {  	[sflag:s0] =	ssyncadd.s32 s31  }
0x1ea: {  	[sflag:s0] =	ssyncpa.u1 $0x1  }
.LBB2_39:
0x1eb: {  	s0 =	sor.u32 s5, s2  }
0x1ec: {  	p1 =	sne.s32 s0, $0x0  }
.Ltmp30:
0x1ed: {  	_ = 	snop;
	(pc) =	sbr.rel @p1 .LBB2_54-.Ltmp30, $3  }
0x1ee: {  	_ =	sdelay $0x1  }
0x1ef: {  	[bflag:$0x0] =	sbarrier.arrive $0xFFFF  }
0x1f0: {  	_ =	sfence  }
0x1f1: {  	s0 =	simm.s32 $0x7  }
0x1f2: {  	s2 =	simm.s32 $0x1000;
	s3 =	simm.s32 $0xF218;
	[sflag:s0] =	ssyncpa.u1 $0x0  }
0x1f3: {  	[tilespmem:s3], [sflag:$0x7] =	stream.linear.gather [spmem:s2], $0x20, $0x38;
	[tilespmem:$0x1F428] =	vst v63  }
0x1f4: {  	s30 =	simm.s32 $0xF238;
	s2 =	simm.s32 $0x0  }
0x1f5: {  	[tilespmem:s30], [sflag:$0x7] =	stream.linear.gather [spmem:s2], $0x1000, $0x38;
	[tilespmem:$0x1F428] =	vst v63  }
.Ltmp31:
0x1f6: {  	_ = 	snop;
	(pc) =	sbr.rel .LBB2_41-.Ltmp31, $4  }
0x1f7: {  	_ =	swait.ge [sflag:s0], $0x1020  }
0x1f8: {  	[sflag:s0] =	ssyncset.done $0x0  }
0x1f9: {  	s31 =	simm.s32 $0x8;
	[sflag:s0] =	ssyncadd.s32 $0xFFFFEFE0  }
0x1fa: {  	s3 =	simm.s32 $0x0;
	[sflag:s31] =	ssyncpa.u1 $0x0  }
.LBB2_47:
0x1fb: {  	p1 =	slt.u32 s4, $0x270F1  }
0x1fc: {  	s0 =	sand.u32 @p1 $0x3FFF8, s4  }
0x1fd: {  	s4 =	sand.u32 @p1 $0x7, s4;
	s5 =	simm.s32 @p1 $0xF188;
	s0 =	sadd.s32 @p1 s1, s0  }
0x1fe: {  	[tilespmem:s5], [sflag:$0x8] =	stream.linear.gather @p1 [hbm4b:s0+s4], $0x80, $0x38;
	[tilespmem:$0x1F428] =	vst v63  }
0x1ff: {  	s0 =	simm.s32 @p1 $0x8  }
0x200: {  	_ =	swait.ge @p1 [sflag:s0], $0x80  }
0x201: {  	[sflag:s0] =	ssyncset.done @p1 $0x0  }
0x202: {  	[sflag:s0] =	ssyncadd.s32 @p1 $0xFFFFFF80  }
0x203: {  	v1 =	vld @p1 [tilespmem:$0xF188];
	_ =	sdelay $0x2  }
0x204: {  	s0 =	sshll.u32 @p1 s3, $0x9  }
0x205: {  	s4 =	sshrl.u32 @p1 s0, $0x2  }
0x206: {  	[tilespmem:s4+$0xF238] =	vst.add.f32.msk @p1 $0xffff, v1  }
0x207: {  	v1 =	vld @p1 [tilespmem:$0xF198];
	_ =	sdelay $0x4  }
0x208: {  	[tilespmem:s4+$0xF248] =	vst.add.f32.msk @p1 $0xffff, v1  }
0x209: {  	v1 =	vld @p1 [tilespmem:$0xF1A8];
	_ =	sdelay $0x4  }
0x20a: {  	[tilespmem:s4+$0xF258] =	vst.add.f32.msk @p1 $0xffff, v1  }
0x20b: {  	v1 =	vld @p1 [tilespmem:$0xF1B8];
	_ =	sdelay $0x4  }
0x20c: {  	[tilespmem:s4+$0xF268] =	vst.add.f32.msk @p1 $0xffff, v1  }
0x20d: {  	v1 =	vld @p1 [tilespmem:$0xF1C8];
	_ =	sdelay $0x4  }
0x20e: {  	[tilespmem:s4+$0xF278] =	vst.add.f32.msk @p1 $0xffff, v1  }
0x20f: {  	v1 =	vld @p1 [tilespmem:$0xF1D8];
	_ =	sdelay $0x4  }
0x210: {  	[tilespmem:s4+$0xF288] =	vst.add.f32.msk @p1 $0xffff, v1  }
0x211: {  	v1 =	vld @p1 [tilespmem:$0xF1E8];
	_ =	sdelay $0x4  }
0x212: {  	[tilespmem:s4+$0xF298] =	vst.add.f32.msk @p1 $0xffff, v1  }
0x213: {  	v1 =	vld @p1 [tilespmem:$0xF1F8];
	_ =	sdelay $0x3  }
0x214: {  	s5 =	sshll.u32 @!p1 s3, $0x9  }
0x215: {  	s5 =	smov.u32 @p1 s0;
	[tilespmem:s4+$0xF2A8] =	vst.add.f32.msk @p1 $0xffff, v1  }
0x216: {  	s0 =	sshrl.u32 s5, $0x2;
	[tilespmem:s2+$0xF218] =	vst.msk $0x1, v0  }
0x217: {  	v0 =	vld [tilespmem:s0+$0xF238];
	_ =	sdelay $0x2  }
0x218: {  	s31 =	sshll.u32 s2, $0x9  }
0x219: {  	s4 =	sshra.s32 s31, $0x2  }
0x21a: {  	[tilespmem:s4+$0xF238] =	vst v0  }
0x21b: {  	v0 =	vld [tilespmem:s0+$0xF248];
	_ =	sdelay $0x4  }
0x21c: {  	[tilespmem:s4+$0xF248] =	vst v0  }
0x21d: {  	v0 =	vld [tilespmem:s0+$0xF258];
	_ =	sdelay $0x4  }
0x21e: {  	[tilespmem:s4+$0xF258] =	vst v0  }
0x21f: {  	v0 =	vld [tilespmem:s0+$0xF268];
	_ =	sdelay $0x4  }
0x220: {  	[tilespmem:s4+$0xF268] =	vst v0  }
0x221: {  	v0 =	vld [tilespmem:s0+$0xF278];
	_ =	sdelay $0x4  }
0x222: {  	[tilespmem:s4+$0xF278] =	vst v0  }
0x223: {  	v0 =	vld [tilespmem:s0+$0xF288];
	_ =	sdelay $0x4  }
0x224: {  	[tilespmem:s4+$0xF288] =	vst v0  }
0x225: {  	v0 =	vld [tilespmem:s0+$0xF298];
	_ =	sdelay $0x4  }
0x226: {  	[tilespmem:s4+$0xF298] =	vst v0  }
0x227: {  	v0 =	vld [tilespmem:s0+$0xF2A8];
	_ =	sdelay $0x4  }
0x228: {  	s2 =	sadd.s32 $0x1, s2;
	[tilespmem:s4+$0xF2A8] =	vst v0  }
.LBB2_48:
0x229: {  	s3 =	sadd.s32 $0x1, s3  }
0x22a: {  	p1 =	sne.s32 s3, $0x20  }
.Ltmp32:
0x22b: {  	_ = 	snop;
	(pc) =	sbr.rel @!p1 .LBB2_49-.Ltmp32, $1  }
0x22c: {  	_ =	sdelay $0x3  }
.LBB2_41:
0x22d: {  	v0 =	vld.msk [tilespmem:s3+$0xF218], $0x1;
	_ =	sdelay $0x4  }
0x22e: {  	(v2sf) =	vpush v0, $0x0;
	_ =	sdelay $0xe  }
0x22f: {  	s4 =	spop (v2sf)  }
0x230: {  	p1 =	seq.s32 s4, $0xFFFFFFFF  }
.Ltmp33:
0x231: {  	_ = 	snop;
	(pc) =	sbr.rel @p1 .LBB2_48-.Ltmp33, $1  }
0x232: {  	_ =	sdelay $0x3  }
0x233: {  	p1 =	slt.s32 s2, $0x1  }
.Ltmp34:
0x234: {  	_ = 	snop;
	(pc) =	sbr.rel @p1 .LBB2_47-.Ltmp34, $1  }
0x235: {  	_ =	sdelay $0x3  }
0x236: {  	s5 =	simm.s32 $0xF218;
	p1 =	por $0x0, $0x0  }
0x237: {  	v1 =	vld.msk @!p1 [tilespmem:s5+$0x0], $0x1;
	_ =	sdelay $0x4  }
0x238: {  	(v2sf) =	vpush @!p1 v1, $0x0;
	_ =	sdelay $0xd  }
0x239: {  	p3 =	sne.s32 s2, $0x1  }
.Ltmp35:
0x23a: {  	s0 =	spop @!p1 (v2sf);
	(pc) =	sbr.rel @!p3 .LBB2_45-.Ltmp35, $4  }
0x23b: {  	p2 =	seq.s32 @!p1 s4, s0  }
0x23c: {  	s6 =	simm.s32 $0x0;
	p2 =	por !p2, p1  }
0x23d: {  	s0 =	simm.s32 $0xFFFFFFFF;
	s6 =	simm.s32 @p2 $0xFFFFFFFF  }
0x23e: {  	s7 =	simm.s32 $0x1;
	s6 =	smov.u32 @p1 s0  }
.LBB2_44:
0x23f: {  	s0 =	smov.u32 s6;
	p1 =	sne.s32 s6, $0xFFFFFFFF  }
0x240: {  	s5 =	sadd.s32 $0x1, s5;
	s6 =	smov.u32 s7;
	s7 =	sadd.s32 $0x1, s7  }
0x241: {  	p2 =	sne.s32 s2, s7;
	v1 =	vld.msk @!p1 [tilespmem:s5+$0x0], $0x1;
	_ =	sdelay $0x4  }
0x242: {  	(v2sf) =	vpush @!p1 v1, $0x0;
	_ =	sdelay $0xe  }
.Ltmp36:
0x243: {  	s8 =	spop @!p1 (v2sf);
	(pc) =	sbr.rel @p2 .LBB2_44-.Ltmp36, $4  }
0x244: {  	p3 =	seq.s32 @!p1 s4, s8  }
0x245: {  	p3 =	por !p3, p1  }
0x246: {  	s6 =	simm.s32 @p3 $0xFFFFFFFF  }
0x247: {  	s6 =	smov.u32 @p1 s0  }
.LBB2_45:
0x248: {  	p1 =	seq.s32 s6, $0xFFFFFFFF  }
.Ltmp37:
0x249: {  	_ = 	snop;
	(pc) =	sbr.rel @p1 .LBB2_47-.Ltmp37, $1  }
0x24a: {  	_ =	sdelay $0x3  }
0x24b: {  	s0 =	sshll.u32 s3, $0x7  }
0x24c: {  	s0 =	sand.u32 $0x3FFFFF80, s0  }
0x24d: {  	v0 =	vld [tilespmem:s0+$0xF238];
	_ =	sdelay $0x2  }
0x24e: {  	s4 =	sshll.u32 s6, $0x9  }
0x24f: {  	s4 =	sshra.s32 s4, $0x2  }
0x250: {  	[tilespmem:s4+$0xF238] =	vst.add.f32.msk $0xffff, v0  }
0x251: {  	v0 =	vld [tilespmem:s0+$0xF248];
	_ =	sdelay $0x4  }
0x252: {  	[tilespmem:s4+$0xF248] =	vst.add.f32.msk $0xffff, v0  }
0x253: {  	v0 =	vld [tilespmem:s0+$0xF258];
	_ =	sdelay $0x4  }
0x254: {  	[tilespmem:s4+$0xF258] =	vst.add.f32.msk $0xffff, v0  }
0x255: {  	v0 =	vld [tilespmem:s0+$0xF268];
	_ =	sdelay $0x4  }
0x256: {  	[tilespmem:s4+$0xF268] =	vst.add.f32.msk $0xffff, v0  }
0x257: {  	v0 =	vld [tilespmem:s0+$0xF278];
	_ =	sdelay $0x4  }
0x258: {  	[tilespmem:s4+$0xF278] =	vst.add.f32.msk $0xffff, v0  }
0x259: {  	v0 =	vld [tilespmem:s0+$0xF288];
	_ =	sdelay $0x4  }
0x25a: {  	[tilespmem:s4+$0xF288] =	vst.add.f32.msk $0xffff, v0  }
0x25b: {  	v0 =	vld [tilespmem:s0+$0xF298];
	_ =	sdelay $0x4  }
0x25c: {  	[tilespmem:s4+$0xF298] =	vst.add.f32.msk $0xffff, v0  }
0x25d: {  	v0 =	vld [tilespmem:s0+$0xF2A8]  }
.Ltmp38:
0x25e: {  	_ = 	snop;
	(pc) =	sbr.rel .LBB2_48-.Ltmp38, $2  }
0x25f: {  	_ =	sdelay $0x2  }
0x260: {  	[tilespmem:s4+$0xF2A8] =	vst.add.f32.msk $0xffff, v0  }
.LBB2_49:
0x261: {  	p1 =	slt.s32 s2, $0x1  }
.Ltmp39:
0x262: {  	_ = 	snop;
	(pc) =	sbr.rel @p1 .LBB2_53-.Ltmp39, $3  }
0x263: {  	_ =	sdelay $0x1  }
0x264: {  	s0 =	simm.s32 $0x8  }
0x265: {  	s3 =	simm.s32 $0x0;
	[sflag:s0] =	ssyncpa.u1 $0x1  }
0x266: {  	s0 =	simm.s32 $0xF218  }
0x267: {  	v0 =	vld.msk [tilespmem:s0+$0x0], $0x1;
	_ =	sdelay $0x4  }
0x268: {  	(v2sf) =	vpush v0, $0x0;
	_ =	sdelay $0xd  }
0x269: {  	s2 =	sadd.s32 $0xFFFFFFFF, s2  }
0x26a: {  	p2 =	sne.s32 s2, $0x0;
	s0 =	spop (v2sf)  }
.Ltmp40:
0x26b: {  	p1 =	sgt.u32 s0, $0x270F0;
	(pc) =	sbr.rel @!p2 .LBB2_52-.Ltmp40, $4  }
0x26c: {  	s4 =	simm.s32 $0xF238;
	s5 =	sand.u32 @!p1 $0x3FFF8, s0  }
0x26d: {  	s6 =	simm.s32 $0x0;
	s0 =	sand.u32 @!p1 $0x7, s0;
	s5 =	sadd.s32 @!p1 s1, s5  }
0x26e: {  	[hbm4b:s5+s0] =	stream.linear.scatter @!p1 [tilespmem:s4], [sflag:$0x7], $0x80, $0x38;
	[tilespmem:$0x1F428] =	vst v63  }
0x26f: {  	s6 =	simm.s32 @!p1 $0x200;
	s5 =	simm.s32 $0xF219  }
.LBB2_51:
0x270: {  	v0 =	vld.msk [tilespmem:s5+$0x0], $0x1;
	s2 =	sadd.s32 $0xFFFFFFFF, s2;
	s3 =	sadd.s32 s3, s6  }
0x271: {  	p1 =	sne.s32 s2, $0x0;
	_ =	sdelay $0x3  }
0x272: {  	(v2sf) =	vpush v0, $0x0;
	_ =	sdelay $0xe  }
.Ltmp41:
0x273: {  	s0 =	spop (v2sf);
	(pc) =	sbr.rel @p1 .LBB2_51-.Ltmp41, $4  }
0x274: {  	s6 =	simm.s32 $0x0;
	p2 =	sgt.u32 s0, $0x270F0  }
0x275: {  	s4 =	sadd.s32 $0x80, s4;
	s6 =	simm.s32 @!p2 $0x200;
	s7 =	sand.u32 @!p2 $0x3FFF8, s0  }
0x276: {  	s5 =	sadd.s32 $0x1, s5;
	s0 =	sand.u32 @!p2 $0x7, s0;
	s7 =	sadd.s32 @!p2 s1, s7  }
0x277: {  	[hbm4b:s7+s0] =	stream.linear.scatter @!p2 [tilespmem:s4], [sflag:$0x7], $0x80, $0x38;
	[tilespmem:$0x1F428] =	vst v63  }
.LBB2_52:
0x278: {  	s0 =	sadd.s32 s3, s6  }
0x279: {  	s3 =	sshrl.u32 s0, $0x2  }
.LBB2_53:
0x27a: {  	s0 =	simm.s32 $0x7  }
0x27b: {  	_ =	swait.ge [sflag:s0], s3  }
0x27c: {  	s1 =	ssub.s32 $0x0, s3;
	[sflag:s0] =	ssyncset.done $0x0  }
0x27d: {  	[sflag:s0] =	ssyncadd.s32 s1  }
0x27e: {  	[sflag:s0] =	ssyncpa.u1 $0x1  }
.LBB2_54:
0x27f: {  	_ =	sfence;
	s0 =	simm.s32 $0x1  }
0x280: {  	[sflag:s0] =	ssyncpa.u1 $0x1  }
0x281: {  	_ =	strace $0x9000004D  }
0x282: {  	[bflag:$0x2] =	sbarrier.arrive $0xFFFF  }
0x283: {  	s0 =	rddreg [dreg:$0x4]  }
0x284: {  	s0 =	sadd.s32 @!p0 $0x100000, s0  }
0x285: {  	[sflag:s0] =	ssyncadd.tile.s32 @!p0 $0x1;
	_ =	shalt  }
.Lfunc_end2:
_tile_overlayer_lowered:
.L_overlay_start_2:
0x286: {  	(tag) =	ssettag $0x2  }
0x287: {  	s0 =	rddreg [dreg:$0x0];
	s2 =	stileid.u32  }
0x288: {  	s1 =	rddreg [dreg:$0x1];
	p0 =	sne.s32 s2, $0x0  }
0x289: {  	s3 =	rddreg [dreg:$0x2];
	[bflag:$0x3] =	sbarrier.arrive $0xFFFF;
	s2 =	simm.s32 @!p0 $0x1C01  }
0x28a: {  	[timem:s3], [sflag:s2] =	dma.local @!p0 [hbm:s0], s1  }
0x28b: {  	s0 =	simm.s32 @!p0 $0x1  }
0x28c: {  	_ =	swait.ge @!p0 [sflag:s0], s1  }
0x28d: {  	s1 =	ssub.s32 @!p0 $0x0, s1;
	[sflag:s0] =	ssyncset.done @!p0 $0x0  }
0x28e: {  	[sflag:s0] =	ssyncadd.s32 @!p0 s1  }
0x28f: {  	[bflag:$0x3] =	sbarrier.arrive $0xFFFF  }
0x290: {  	_ =	shalt  }

// kernel: scatter_offload_async_start
scs
__scs_entry_jumppad:
0x0: {  	(pc) =	sbr.rel $0x88, $3  }
0x1: {  	(tag) =	ssettag $0x0;
	lr =	simm.s32 $0x1  }
0x2: {  	[smem:$0x3F99] =	sst lr;
	_ =	strace $0xD0000000  }
0x3: {  	_ = 	snop  }
0x4: {  	_ = 	snop  }
0x5: {  	_ = 	snop  }
0x6: {  	_ = 	snop  }
0x7: {  	_ = 	snop  }
__scs_overlays_trampoline_lowered:
0x8: {  	[smem:$0x3FA8] =	sst s0  }
0x9: {  	[smem:$0x3FA9] =	sst s1  }
0xa: {  	[smem:$0x3FAA] =	sst s2  }
0xb: {  	[smem:$0x3FAB] =	sst s3  }
0xc: {  	[smem:$0x3FAC] =	sst s4  }
0xd: {  	[smem:$0x3FAD] =	sst s5  }
0xe: {  	[smem:$0x3FAE] =	sst s6  }
0xf: {  	[smem:$0x3FAF] =	sst s7  }
0x10: {  	[smem:$0x3FB0] =	sst s8  }
0x11: {  	[smem:$0x3FB1] =	sst s9;
	s0 =	simm.s32 @!p0 $0x0  }
0x12: {  	s1 =	sld [smem:$0x3F97];
	s0 =	simm.s32 @p0 $0x1  }
0x13: {  	[smem:$0x3FB2] =	sst s0;
	s0 =	simm.s32 @!p1 $0x0  }
0x14: {  	s2 =	sld [smem:$0x3F96];
	s0 =	simm.s32 @p1 $0x1  }
0x15: {  	[smem:$0x3FB3] =	sst s0;
	s0 =	simm.s32 @!p2 $0x0  }
0x16: {  	s3 =	sld [smem:$0x3FDB];
	s0 =	simm.s32 @p2 $0x1  }
0x17: {  	s4 =	simm.s32 $0x1BF5;
	[smem:$0x3FB5] =	sst s0  }
0x18: {  	s0 =	sld [smem:$0x3F98];
	_ =	swait.ge [sflag:s4], $0x0  }
0x19: {  	s7 =	sld [smem:$0x3F99]  }
0x1a: {  	s8 =	sadd.s32 $0xFFFFE003, lr  }
0x1b: {  	s9 =	sadd.s32 $0xFFFFFEF7, lr;
	s5 =	simm.s32 $0xFFFFFFFF;
	p2 =	slt.u32 s8, $0xFFFFF086  }
0x1c: {  	p1 =	slt.u32 s9, $0xF7A;
	s5 =	simm.s32 @!p2 $0x0  }
0x1d: {  	s5 =	simm.s32 @p1 $0x1;
	p0 =	seq.s32 s7, s2  }
0x1e: {  	s7 =	smul.u32 @!p0 $0xF7A, s2;
	p2 =	seq.s32 @!p0 s5, $0x0  }
0x1f: {  	s9 =	smul.u32 $0xF7A, s1;
	s8 =	simm.s32 @!p0 $0x1BF5;
	p2 =	por !p2, p0  }
0x20: {  	[sflag:s8] =	ssyncset.s32 @!p0 $0xFFFFF086;
	s6 =	sadd.s32 @!p0 s3, s7;
	s7 =	simm.s32 @!p0 $0x108  }
0x21: {  	s3 =	sadd.s32 s3, s9;
	s6 =	sadd.s32 @!p0 $0x88, s6;
	s7 =	simm.s32 @p2 $0x1082  }
0x22: {  	[simem:s7], [sflag:s8] =	dma.local @!p0 [hbm:s6], $0xF7A  }
0x23: {  	s9 =	sor.u32 $0xD0000000, s2;
	s6 =	simm.s32 $0x108;
	_ =	swait.ge @!p0 [sflag:s8], $0x0  }
0x24: {  	s3 =	sadd.s32 $0x88, s3;
	s6 =	simm.s32 @!p1 $0x1082;
	[sflag:s4] =	ssyncset.s32 $0xFFFFF086  }
0x25: {  	[simem:s6], [sflag:s4] =	dma.local [hbm:s3], $0xF7A  }
0x26: {  	[smem:$0x3F99] =	sst s1;
	(tag) =	ssettag s2;
	_ =	strace s9  }
0x27: {  	s1 =	sld [smem:$0x3FA9]  }
0x28: {  	s2 =	sld [smem:$0x3FAA]  }
0x29: {  	s4 =	sld [smem:$0x3FAC]  }
0x2a: {  	p0 =	seq.s32 s5, $0x0;
	s5 =	sld [smem:$0x3FAD]  }
0x2b: {  	s6 =	sld [smem:$0x3FAE]  }
0x2c: {  	s7 =	sld [smem:$0x3FAF]  }
0x2d: {  	s3 =	simm.s32 $0x108;
	s8 =	sld [smem:$0x3FB0]  }
0x2e: {  	s3 =	simm.s32 @!p0 $0x1082;
	s9 =	sld [smem:$0x3FB1]  }
0x2f: {  	lr =	sadd.s32 s0, s3;
	s0 =	sld [smem:$0x3FA8]  }
0x30: {  	s3 =	sld [smem:$0x3FAB]  }
0x31: {  	[smem:$0x3FB4] =	sst s10  }
0x32: {  	s10 =	sld [smem:$0x3FB2];
	_ =	sdelay $0x3  }
0x33: {  	p0 =	seq.s32 s10, $0x1;
	s10 =	sld [smem:$0x3FB4];
	_ =	sdelay $0x3  }
0x34: {  	[smem:$0x3FB4] =	sst s10  }
0x35: {  	s10 =	sld [smem:$0x3FB3];
	_ =	sdelay $0x3  }
0x36: {  	p1 =	seq.s32 s10, $0x1;
	s10 =	sld [smem:$0x3FB4];
	_ =	sdelay $0x3  }
0x37: {  	[smem:$0x3FB4] =	sst s10  }
0x38: {  	s10 =	sld [smem:$0x3FB5]  }
0x39: {  	_ = 	snop;
	(pc) =	sbr.ind lr, $3  }
0x3a: {  	_ = 	snop  }
0x3b: {  	_ = 	snop  }
0x3c: {  	p2 =	seq.s32 s10, $0x1;
	s10 =	sld [smem:$0x3FB4]  }
0x3d: {  	_ =	shalt  }
0x3e: {  	_ =	shalt  }
0x3f: {  	_ =	shalt  }
0x40: {  	_ =	shalt  }
0x41: {  	_ =	shalt  }
0x42: {  	_ =	shalt  }
0x43: {  	_ =	shalt  }
0x44: {  	_ =	shalt  }
0x45: {  	_ =	shalt  }
0x46: {  	_ =	shalt  }
0x47: {  	_ =	shalt  }
0x48: {  	_ =	shalt  }
0x49: {  	_ =	shalt  }
0x4a: {  	_ =	shalt  }
0x4b: {  	_ =	shalt  }
0x4c: {  	_ =	shalt  }
0x4d: {  	_ =	shalt  }
0x4e: {  	_ =	shalt  }
0x4f: {  	_ =	shalt  }
0x50: {  	_ =	shalt  }
0x51: {  	_ =	shalt  }
0x52: {  	_ =	shalt  }
0x53: {  	_ =	shalt  }
0x54: {  	_ =	shalt  }
0x55: {  	_ =	shalt  }
0x56: {  	_ =	shalt  }
0x57: {  	_ =	shalt  }
0x58: {  	_ =	shalt  }
0x59: {  	_ =	shalt  }
0x5a: {  	_ =	shalt  }
0x5b: {  	_ =	shalt  }
0x5c: {  	_ =	shalt  }
0x5d: {  	_ =	shalt  }
0x5e: {  	_ =	shalt  }
0x5f: {  	_ =	shalt  }
0x60: {  	_ =	shalt  }
0x61: {  	_ =	shalt  }
0x62: {  	_ =	shalt  }
0x63: {  	_ =	shalt  }
0x64: {  	_ =	shalt  }
0x65: {  	_ =	shalt  }
0x66: {  	_ =	shalt  }
0x67: {  	_ =	shalt  }
0x68: {  	_ =	shalt  }
0x69: {  	_ =	shalt  }
0x6a: {  	_ =	shalt  }
0x6b: {  	_ =	shalt  }
0x6c: {  	_ =	shalt  }
0x6d: {  	_ =	shalt  }
0x6e: {  	_ =	shalt  }
0x6f: {  	_ =	shalt  }
0x70: {  	_ =	shalt  }
0x71: {  	_ =	shalt  }
0x72: {  	_ =	shalt  }
0x73: {  	_ =	shalt  }
0x74: {  	_ =	shalt  }
0x75: {  	_ =	shalt  }
0x76: {  	_ =	shalt  }
0x77: {  	_ =	shalt  }
0x78: {  	_ =	shalt  }
0x79: {  	_ =	shalt  }
0x7a: {  	_ =	shalt  }
0x7b: {  	_ =	shalt  }
0x7c: {  	_ =	shalt  }
0x7d: {  	_ =	shalt  }
0x7e: {  	_ =	shalt  }
0x7f: {  	_ =	shalt  }
0x80: {  	_ =	shalt  }
0x81: {  	_ =	shalt  }
0x82: {  	_ =	shalt  }
0x83: {  	_ =	shalt  }
0x84: {  	_ =	shalt  }
0x85: {  	_ =	shalt  }
0x86: {  	_ =	shalt  }
0x87: {  	_ =	shalt  }
.Lfunc_end0:
.L_simem_size_0:
called_computation_lowered:
.L_overlay_start_0:
0x88: {  	s2 =	sld [smem:$0x3FD9]  }
0x89: {  	s3 =	sld [smem:$0x3FFE];
	_ =	sdelay $0x1  }
0x8a: {  	s1 =	srdreg.scid  }
0x8b: {  	s0 =	sand.u32 $0x1, s1  }
0x8c: {  	s13 =	sshll.u32 s0, $0xA;
	s2 =	sadd.s32 s3, s2  }
0x8d: {  	s2 =	sadd.s32 s2, s13  }
0x8e: {  	[smem:$0x3FC0] =	sst s2  }
0x8f: {  	_ = 	snop  }
0x90: {  	s2 =	sld [smem:$0x3FD0];
	_ =	sdelay $0x2  }
0x91: {  	s4 =	simm.s32 $0xB;
	s14 =	simm.s32 $0x10  }
0x92: {  	[smem:s14], [sflag:s4] =	dma.local [hbm:s2], $0x1  }
0x93: {  	_ =	swait.eq [sflag:s4], $0x1  }
0x94: {  	[sflag:s4] =	ssyncset.done $0x0  }
0x95: {  	s15 =	sld [smem:$0x11];
	[sflag:s4] =	ssyncadd.s32 $0xFFFFFFFF  }
0x96: {  	s16 =	sld [smem:$0x12];
	(tm) =	ssettm $0x1  }
0x97: {  	s17 =	sld [smem:$0x3FFB];
	_ =	sdelay $0x3  }
0x98: {  	_ =	strace s17  }
0x99: {  	s2 =	sld [smem:$0x3FFC];
	_ =	sdelay $0x3  }
0x9a: {  	_ =	strace s2  }
0x9b: {  	s2 =	sld [smem:$0x3FFD];
	_ =	sdelay $0x3  }
0x9c: {  	_ =	strace s2  }
0x9d: {  	_ =	strace $0x8FFFFFFF  }
0x9e: {  	s18 =	sld [smem:$0x3FDB];
	_ =	sdelay $0x1  }
0x9f: {  	s5 =	simm.s32 $_scs_section_size  }
0xa0: {  	s6 =	simm.s32 $_size__tile_overlayer_lowered;
	s7 =	simm.s32 $_tile_overlayer_lowered  }
0xa1: {  	s8 =	simm.s32 $0x1BFF;
	s19 =	sshll.u32 s7, $0x1;
	s5 =	sadd.s32 s5, s18  }
0xa2: {  	s20 =	simm.s32 $0x0;
	s6 =	sshll.u32 s6, $0x1;
	s7 =	sadd.s32 s19, s5  }
0xa3: {  	[timem:s20], [sflag:s8] =	dma.local [hbm:s7], s6  }
0xa4: {  	_ =	swait.ge [sflag:s8], s6  }
0xa5: {  	s6 =	ssub.s32 $0x0, s6;
	[sflag:s8] =	ssyncset.done $0x0  }
0xa6: {  	[sflag:s8] =	ssyncadd.s32 s6;
	_ =	sdelay $0x1  }
0xa7: {  	s21 =	simm.s32 $0x1B8B  }
0xa8: {  	_ =	swait.ge [sflag:s21], $0x1  }
0xa9: {  	[sflag:s21] =	ssyncset.done $0x0  }
0xaa: {  	s22 =	sld [smem:$0x3FFE];
	[sflag:s21] =	ssyncadd.s32 $0xFFFFFFFF  }
0xab: {  	s24 =	simm.s32 $0x1B8E;
	s23 =	sld [smem:$0x0]  }
0xac: {  	s25 =	simm.s32 $execute0_lowered;
	[smem:$0x3FD2] =	sst s24  }
0xad: {  	s8 =	sshll.u32 s25, $0x1;
	_ =	strace $0x80000046;
	[dreg:$0x1] =	wrdreg $0xFFFFFFFF  }
0xae: {  	s9 =	simm.s32 $_size_execute0_lowered;
	s8 =	sadd.s32 s5, s8;
	[dreg:$0x0] =	wrdreg $0x0  }
0xaf: {  	s9 =	sshll.u32 s9, $0x1;
	[dreg:$0x2] =	wrdreg s8  }
0xb0: {  	[dreg:$0x3] =	wrdreg s9  }
0xb1: {  	[dreg:$0x4] =	wrdreg $0xC0  }
0xb2: {  	s26 =	simm.s32 $execute1_lowered;
	_ =	task [dreg:s20], $0x5FFFF  }
0xb3: {  	s8 =	sshll.u32 s26, $0x1;
	[dreg:$0x1] =	wrdreg $0xFFFFFFFF  }
0xb4: {  	s5 =	sadd.s32 s5, s8;
	[dreg:$0x0] =	wrdreg $0x60  }
0xb5: {  	[dreg:$0x2] =	wrdreg s5  }
0xb6: {  	[dreg:$0x3] =	wrdreg s16  }
0xb7: {  	[dreg:$0x4] =	wrdreg s15  }
0xb8: {  	[dreg:$0x5] =	wrdreg $0x9  }
0xb9: {  	_ =	task.clear_ibuf [dreg:s20], $0x6FFFF;
	_ =	strace $0x90000046  }
0xba: {  	s28 =	simm.s32 $0x9;
	_ =	strace $0x80000048  }
0xbb: {  	_ =	swait.ge [sflag:s28], $0x1  }
0xbc: {  	[sflag:s28] =	ssyncadd.s32 $0xFFFFFFFF  }
0xbd: {  	_ =	strace $0x90000048  }
0xbe: {  	s4 =	sld [smem:$0x0]  }
0xbf: {  	s5 =	sand.u32 $0xFFFFFFFE, s1  }
0xc0: {  	p0 =	sne.s32 s1, s5  }
0xc1: {  	s5 =	sshll.u32 @p0 s5, $0xE  }
0xc2: {  	s5 =	sadd.s32 @p0 $0x11BF3, s5;
	s8 =	sshll.u32 @p0 s4, $0x11  }
0xc3: {  	s5 =	sor.u32 @p0 s8, s5  }
0xc4: {  	[sflag:s5] =	ssyncadd.remote.s32 @p0 $0x1;
	_ =	sdelay $0x1  }
0xc5: {  	s5 =	simm.s32 @p0 $0x1BF3  }
0xc6: {  	_ =	swait.eq @p0 [sflag:s5], $0x1  }
0xc7: {  	[sflag:s5] =	ssyncadd.s32 @p0 $0xFFFFFFFF  }
0xc8: {  	s8 =	sshll.u32 @!p0 s1, $0xE  }
0xc9: {  	s8 =	sor.u32 @!p0 $0x4000, s8;
	s5 =	simm.s32 @!p0 $0x1BF3  }
0xca: {  	s4 =	sshll.u32 @!p0 s4, $0x11;
	s8 =	sadd.s32 @!p0 $0x11BF3, s8;
	_ =	swait.eq @!p0 [sflag:s5], $0x1  }
0xcb: {  	s4 =	sor.u32 @!p0 s4, s8;
	[sflag:s5] =	ssyncadd.s32 @!p0 $0xFFFFFFFF  }
0xcc: {  	[sflag:s4] =	ssyncadd.remote.s32 @!p0 $0x1  }
0xcd: {  	_ =	strace $0x80000049;
	[dreg:$0x1] =	wrdreg $0xFFFFFFFF  }
0xce: {  	[dreg:$0x0] =	wrdreg $0x2030  }
0xcf: {  	[dreg:$0x2] =	wrdreg s15  }
0xd0: {  	[dreg:$0x3] =	wrdreg s22  }
0xd1: {  	[dreg:$0x4] =	wrdreg s1  }
0xd2: {  	[dreg:$0x5] =	wrdreg s23  }
0xd3: {  	[dreg:$0x6] =	wrdreg $0xA  }
0xd4: {  	_ =	task.clear_ibuf [dreg:s20], $0x7FFFF;
	_ =	strace $0x90000049  }
0xd5: {  	s29 =	simm.s32 $0xA;
	_ =	strace $0x8000004B  }
0xd6: {  	_ =	swait.ge [sflag:s29], $0x1  }
0xd7: {  	[sflag:s29] =	ssyncadd.s32 $0xFFFFFFFF  }
0xd8: {  	_ =	strace $0x9000004B  }
0xd9: {  	_ =	sfence  }
0xda: {  	s30 =	sld [smem:$0x0];
	_ =	sdelay $0x2  }
0xdb: {  	s31 =	sshll.u32 s1, $0xD;
	s1 =	sshrl.u32 s1, $0x2  }
0xdc: {  	s4 =	sand.u32 $0x4000, s31;
	s1 =	sadd.s32 s1, s30  }
0xdd: {  	s0 =	sor.u32 s4, s0;
	s1 =	sshll.u32 s1, $0x11  }
0xde: {  	s0 =	sor.u32 s1, s0  }
0xdf: {  	s0 =	sadd.s32 $0x8F2B, s0  }
0xe0: {  	[sflag:s0] =	ssyncadd.remote.s32 $0x1  }
0xe1: {  	_ =	sfence.sel $0xFFFF  }
0xe2: {  	[dreg:$0x0] =	wrdreg $0xFFFFFFFF;
	(pc) =	sbr.abs _section_cstart, $3  }
0xe3: {  	[dreg:$0x1] =	wrdreg $0xFFFFFFFF  }
0xe4: {  	_ =	task.clear_ibuf [dreg:s20], $0x2FFFF;
	_ =	strace $0x9FFFFFFF  }
0xe5: {  	(tm) =	ssettm $0x7FFFFFFF  }
tec
execute0_lowered:
.L_overlay_start_1:
0x0: {  	(tag) =	ssettag $0x1  }
0x1: {  	s4 =	rddreg [dreg:$0x0]  }
0x2: {  	s2 =	rddreg [dreg:$0x1]  }
0x3: {  	s3 =	rddreg [dreg:$0x2]  }
0x4: {  	s0 =	rddreg [dreg:$0x3];
	s5 =	stileid.u32;
	[bflag:$0x3] =	sbarrier.arrive $0xFFFF  }
0x5: {  	s1 =	simm.s32 $_size_execute1_lowered;
	s29 =	srdreg.scid;
	p0 =	sne.s32 s5, $0x0  }
0x6: {  	s1 =	sshll.u32 s1, $0x1;
	s6 =	simm.s32 @!p0 $0x1C3F;
	s7 =	simm.s32 @!p0 $0x4060  }
0x7: {  	[timem:s7], [sflag:s6] =	dma.local @!p0 [hbm:s4], s1  }
0x8: {  	s31 =	simm.s32 $0x2;
	s8 =	simm.s32 $0x0;
	s4 =	sshll.u32 s29, $0x7  }
.Ltmp0:
0x9: {  	s5 =	sshll.u32 s5, $0x8;
	s4 =	sand.u32 $0x80, s4;
	(pc) =	sbr.rel .LBB2_1-.Ltmp0, $4  }
0xa: {  	s12 =	simm.s32 $0x0;
	s10 =	simm.s32 $0x0;
	s4 =	sor.u32 s5, s4  }
0xb: {  	_ =	strace $0x80000047;
	s5 =	simm.s32 $0x1;
	s30 =	ssub.s32 $0x2700, s4  }
0xc: {  	s11 =	simm.s32 $0x0;
	[sflag:s5] =	ssyncpa.u1 $0x0;
	s6 =	sshrl.u32 s30, $0xC  }
0xd: {  	s9 =	smov.u32 s4;
	[sflag:s31] =	ssyncpa.u1 $0x0;
	s7 =	sadd.s32 $0x2, s6  }
.LBB2_4:
0xe: {  	_ = 	snop  }
.LBB2_7:
0xf: {  	_ =	sdelay $0x3  }
0x10: {  	[tilespmem:v0+s16+$0x0 ss:$0x1] =	vst.idx.msk @p1 $0xffff, v2  }
0x11: {  	v56 =	vld.idx.msk [tilespmem:v1+s15+$0x0 ss:$0x1], $0xffff;
	s24 =	sor.u32 $0x70, s15;
	[tilespmem:v0+s17+$0x0 ss:$0x1] =	vst.idx.msk @p1 $0xffff, v4  }
0x12: {  	s25 =	sor.u32 $0x10, s15;
	[tilespmem:v0+s18+$0x0 ss:$0x1] =	vst.idx.msk @p1 $0xffff, v3;
	v57 =	vld.idx.msk [tilespmem:v1+s24+$0x0 ss:$0x1], $0xffff  }
0x13: {  	s26 =	sor.u32 $0x20, s15;
	[tilespmem:v0+s19+$0x0 ss:$0x1] =	vst.idx.msk @p1 $0xffff, v5;
	v58 =	vld.idx.msk [tilespmem:v1+s25+$0x0 ss:$0x1], $0xffff  }
0x14: {  	s28 =	sor.u32 $0x30, s15;
	[tilespmem:v0+s20+$0x0 ss:$0x1] =	vst.idx.msk @p1 $0xffff, v6;
	v59 =	vld.idx.msk [tilespmem:v1+s26+$0x0 ss:$0x1], $0xffff  }
0x15: {  	s29 =	sor.u32 $0x40, s15;
	[tilespmem:v0+s21+$0x0 ss:$0x1] =	vst.idx.msk @p1 $0xffff, v7;
	v60 =	vld.idx.msk [tilespmem:v1+s28+$0x0 ss:$0x1], $0xffff  }
0x16: {  	s30 =	sor.u32 $0x50, s15;
	v61 =	vld.idx.msk [tilespmem:v1+s29+$0x0 ss:$0x1], $0xffff;
	[tilespmem:v0+s15+$0x0 ss:$0x1] =	vst.idx.msk $0xffff, v56  }
0x17: {  	s31 =	sor.u32 $0x60, s15;
	v62 =	vld.idx.msk [tilespmem:v1+s30+$0x0 ss:$0x1], $0xffff;
	[tilespmem:v0+s24+$0x0 ss:$0x1] =	vst.idx.msk $0xffff, v57  }
0x18: {  	v63 =	vld.idx.msk [tilespmem:v1+s31+$0x0 ss:$0x1], $0xffff;
	[tilespmem:v0+s25+$0x0 ss:$0x1] =	vst.idx.msk $0xffff, v58  }
0x19: {  	[tilespmem:v0+s26+$0x0 ss:$0x1] =	vst.idx.msk $0xffff, v59  }
0x1a: {  	[tilespmem:v0+s28+$0x0 ss:$0x1] =	vst.idx.msk $0xffff, v60  }
0x1b: {  	[tilespmem:v0+s29+$0x0 ss:$0x1] =	vst.idx.msk $0xffff, v61  }
0x1c: {  	[tilespmem:v0+s30+$0x0 ss:$0x1] =	vst.idx.msk $0xffff, v62  }
0x1d: {  	[tilespmem:v0+s31+$0x0 ss:$0x1] =	vst.idx.msk $0xffff, v63  }
.LBB2_8:
0x1e: {  	s15 =	sand.u32 $0x1FFFFFF, s10  }
0x1f: {  	s16 =	smulhi.u32 $0x1A36E2F, s15;
	_ =	sdelay $0x1  }
0x20: {  	s16 =	sshrl.u32 s16, $0x6  }
0x21: {  	s16 =	smul.u32 $0x2710, s16;
	_ =	sdelay $0x1  }
0x22: {  	s15 =	ssub.s32 s15, s16  }
0x23: {  	s15 =	sshll.u32 s15, $0x4  }
0x24: {  	s15 =	sadd.s32 s3, s15  }
0x25: {  	[hbm4b:s15+s8] =	stream.linear.scatter [tilespmem:s14], [sflag:$0x2], s13, $0x38;
	[tilespmem:$0x10000] =	vst v63  }
.LBB2_9:
0x26: {  	p1 =	slt.u32 s11, $0x2  }
0x27: {  	p2 =	sgt.s32 @!p1 s12, $0x2690  }
0x28: {  	s13 =	smov.u32 s12;
	s14 =	sshra.s32 @!p1 s12, $0x1F;
	p2 =	por !p2, p1  }
0x29: {  	s12 =	sand.u32 @!p1 s14, s12;
	s13 =	simm.s32 @p2 $0x2690  }
0x2a: {  	s12 =	ssub.s32 @!p1 s13, s12  }
0x2b: {  	s12 =	sadd.s32 @!p1 $0xFFFFD970, s12  }
0x2c: {  	s13 =	sshll.u32 @!p1 s12, $0x9  }
0x2d: {  	p2 =	sgt.s32 @!p1 s12, $0x7F;
	s12 =	ssub.s32 @!p1 $0x10000, s13  }
0x2e: {  	s14 =	sadd.s32 $0x1000, s9;
	p2 =	por !p2, p1;
	s12 =	sshrl.u32 @!p1 s12, $0x2  }
0x2f: {  	s12 =	simm.s32 @!p2 $0x0;
	p2 =	sgt.s32 s14, $0x270F  }
0x30: {  	s14 =	smov.u32 @p2 s4;
	p2 =	sne.s32 s11, s7  }
.Ltmp1:
0x31: {  	_ = 	snop;
	(pc) =	sbr.rel @!p2 .LBB2_10-.Ltmp1, $4  }
0x32: {  	s13 =	simm.s32 @!p1 $0x2  }
0x33: {  	_ =	swait.ge @!p1 [sflag:s13], s12;
	s15 =	ssub.s32 @!p1 $0x0, s12  }
0x34: {  	s12 =	smov.u32 s10;
	s11 =	sadd.s32 $0x1, s11;
	[sflag:s13] =	ssyncset.done @!p1 $0x0  }
0x35: {  	s10 =	smov.u32 s9;
	s9 =	smov.u32 s14;
	[sflag:s13] =	ssyncadd.s32 @!p1 s15  }
.LBB2_1:
0x36: {  	p1 =	sgt.u32 s11, s6  }
0x37: {  	s13 =	sand.u32 @!p1 $0x1FFFFFF, s9  }
0x38: {  	p2 =	sgt.s32 @!p1 s9, $0x2690;
	s14 =	smulhi.u32 @!p1 $0x1A36E2F, s13  }
0x39: {  	s15 =	smov.u32 s9;
	s16 =	sshra.s32 @!p1 s9, $0x1F;
	p2 =	por !p2, p1  }
0x3a: {  	s16 =	sand.u32 @!p1 s16, s9;
	s15 =	simm.s32 @p2 $0x2690;
	s14 =	sshrl.u32 @!p1 s14, $0x6  }
0x3b: {  	s15 =	ssub.s32 @!p1 s15, s16;
	s14 =	smul.u32 @!p1 $0x2710, s14  }
0x3c: {  	s16 =	sxor.u32 @!p1 $0xFFFFFFFF, s11;
	s15 =	sadd.s32 @!p1 $0xFFFFD970, s15  }
0x3d: {  	s16 =	sshll.u32 @!p1 s16, $0xE;
	s13 =	ssub.s32 @!p1 s13, s14;
	s14 =	sshll.u32 @!p1 s15, $0x9  }
0x3e: {  	s16 =	sand.u32 @!p1 $0x4000, s16;
	p2 =	sgt.s32 @!p1 s15, $0x7F;
	s14 =	ssub.s32 @!p1 $0x10000, s14  }
0x3f: {  	p2 =	por !p2, p1;
	s13 =	sshll.u32 @!p1 s13, $0x4;
	s14 =	sshrl.u32 @!p1 s14, $0x2  }
0x40: {  	s15 =	simm.s32 @!p1 $0x0;
	s13 =	sadd.s32 @!p1 s2, s13;
	s14 =	simm.s32 @!p2 $0x0  }
0x41: {  	[tilespmem:s16], [sflag:$0x1] =	stream.linear.gather @!p1 [hbm4b:s13+s15], s14, $0x38;
	[tilespmem:$0x10000] =	vst v63  }
0x42: {  	p1 =	seq.s32 s11, $0x0  }
0x43: {  	p2 =	sge.u32 @!p1 s11, s7  }
0x44: {  	p1 =	por p1, p2  }
.Ltmp2:
0x45: {  	_ = 	snop;
	(pc) =	sbr.rel @p1 .LBB2_9-.Ltmp2, $1  }
0x46: {  	_ =	sdelay $0x3  }
0x47: {  	p1 =	sgt.s32 s10, $0x2690;
	s13 =	smov.u32 s10;
	s14 =	sshra.s32 s10, $0x1F  }
0x48: {  	s13 =	simm.s32 @!p1 $0x2690;
	s14 =	sand.u32 s14, s10  }
0x49: {  	s13 =	ssub.s32 s13, s14  }
0x4a: {  	s13 =	sadd.s32 $0xFFFFD970, s13  }
0x4b: {  	s31 =	sshll.u32 s13, $0x9  }
0x4c: {  	s14 =	ssub.s32 $0x10000, s31  }
0x4d: {  	p1 =	sgt.s32 s13, $0x7F;
	s13 =	sshrl.u32 s14, $0x2;
	s14 =	sadd.s32 $0x80, s10  }
0x4e: {  	s13 =	simm.s32 @p1 $0x0;
	p1 =	slt.s32 s14, $0x2710  }
0x4f: {  	s14 =	simm.s32 @!p1 $0x2710  }
0x50: {  	s16 =	ssub.s32 s14, s10  }
0x51: {  	p1 =	slt.s32 s16, $0x1  }
.Ltmp3:
0x52: {  	_ = 	snop;
	(pc) =	sbr.rel @p1 .LBB2_8-.Ltmp3, $4  }
0x53: {  	_ = 	snop  }
0x54: {  	s15 =	sshll.u32 s11, $0xE;
	_ =	swait.ge [sflag:s5], s13  }
0x55: {  	s15 =	sand.u32 $0x4000, s15;
	s17 =	ssub.s32 $0x0, s13;
	[sflag:s5] =	ssyncset.done $0x0  }
0x56: {  	s14 =	sor.u32 $0x8000, s15;
	[sflag:s5] =	ssyncadd.s32 s17  }
0x57: {  	p2 =	sne.s32 s16, $0x1  }
.Ltmp4:
0x58: {  	v1 =	vmov s15;
	v0 =	vmov s14;
	(pc) =	sbr.rel @!p2 .LBB2_4-.Ltmp4, $3  }
0x59: {  	_ =	sdelay $0x1  }
0x5a: {  	s17 =	simm.s32 $0x0  }
0x5b: {  	s23 =	sadd.s32 $0xFFFFFFFF, s16;
	p1 =	por $0x0, $0x0;
	s15 =	sand.u32 $0x3F80, s17  }
0x5c: {  	_ =	sdelay $0x3  }
0x5d: {  	v6 =	vld.idx.msk [tilespmem:v1+s15+$0x0 ss:$0x1], $0xffff;
	s24 =	sor.u32 $0x70, s15  }
0x5e: {  	s16 =	sor.u32 $0x10, s15;
	v8 =	vld.idx.msk [tilespmem:v1+s24+$0x0 ss:$0x1], $0xffff  }
0x5f: {  	s17 =	sor.u32 $0x20, s15;
	p2 =	sne.s32 s23, $0x1;
	v2 =	vld.idx.msk [tilespmem:v1+s16+$0x0 ss:$0x1], $0xffff  }
.Ltmp5:
0x60: {  	s18 =	sor.u32 $0x30, s15;
	v4 =	vld.idx.msk [tilespmem:v1+s17+$0x0 ss:$0x1], $0xffff;
	(pc) =	sbr.rel @!p2 .LBB2_7-.Ltmp5, $4  }
0x61: {  	s19 =	sor.u32 $0x40, s15;
	v3 =	vld.idx.msk [tilespmem:v1+s18+$0x0 ss:$0x1], $0xffff  }
0x62: {  	s21 =	sor.u32 $0x60, s15;
	v5 =	vld.idx.msk [tilespmem:v1+s19+$0x0 ss:$0x1], $0xffff  }
0x63: {  	s20 =	sor.u32 $0x50, s15;
	s22 =	simm.s32 $0x80;
	v7 =	vld.idx.msk [tilespmem:v1+s21+$0x0 ss:$0x1], $0xffff;
	[tilespmem:v0+s15+$0x0 ss:$0x1] =	vst.idx.msk $0xffff, v6  }
0x64: {  	s23 =	sadd.s32 $0xFFFFFFFF, s23;
	p1 =	por $0x1, $0x1;
	v6 =	vld.idx.msk [tilespmem:v1+s20+$0x0 ss:$0x1], $0xffff;
	s15 =	sand.u32 $0x3F80, s22;
	[tilespmem:v0+s24+$0x0 ss:$0x1] =	vst.idx.msk $0xffff, v8  }
.LBB2_6:
0x65: {  	p2 =	sne.s32 s23, $0x1;
	v8 =	vld.idx.msk [tilespmem:v1+s15+$0x0 ss:$0x1], $0xffff;
	s24 =	sor.u32 $0x70, s15;
	[tilespmem:v0+s16+$0x0 ss:$0x1] =	vst.idx.msk $0xffff, v2;
	s16 =	sor.u32 $0x10, s15  }
0x66: {  	s25 =	sor.u32 $0x30, s15;
	s26 =	sor.u32 $0x40, s15;
	v9 =	vld.idx.msk [tilespmem:v1+s24+$0x0 ss:$0x1], $0xffff;
	[tilespmem:v0+s17+$0x0 ss:$0x1] =	vst.idx.msk $0xffff, v4;
	s17 =	sor.u32 $0x20, s15  }
0x67: {  	s28 =	sor.u32 $0x50, s15;
	s29 =	sor.u32 $0x60, s15;
	v2 =	vld.idx.msk [tilespmem:v1+s16+$0x0 ss:$0x1], $0xffff;
	[tilespmem:v0+s18+$0x0 ss:$0x1] =	vst.idx.msk $0xffff, v3;
	s18 =	smov.u32 s25  }
.Ltmp6:
0x68: {  	v4 =	vld.idx.msk [tilespmem:v1+s17+$0x0 ss:$0x1], $0xffff;
	[tilespmem:v0+s19+$0x0 ss:$0x1] =	vst.idx.msk $0xffff, v5;
	s19 =	smov.u32 s26;
	(pc) =	sbr.rel @p2 .LBB2_6-.Ltmp6, $4  }
0x69: {  	v3 =	vld.idx.msk [tilespmem:v1+s18+$0x0 ss:$0x1], $0xffff;
	[tilespmem:v0+s20+$0x0 ss:$0x1] =	vst.idx.msk $0xffff, v6;
	s20 =	smov.u32 s28  }
0x6a: {  	v5 =	vld.idx.msk [tilespmem:v1+s19+$0x0 ss:$0x1], $0xffff;
	[tilespmem:v0+s21+$0x0 ss:$0x1] =	vst.idx.msk $0xffff, v7;
	s21 =	smov.u32 s29  }
0x6b: {  	s22 =	sadd.s32 $0x80, s22;
	[tilespmem:v0+s15+$0x0 ss:$0x1] =	vst.idx.msk $0xffff, v8;
	v6 =	vld.idx.msk [tilespmem:v1+s20+$0x0 ss:$0x1], $0xffff  }
0x6c: {  	s23 =	sadd.s32 $0xFFFFFFFF, s23;
	s15 =	sand.u32 $0x3F80, s22;
	v7 =	vld.idx.msk [tilespmem:v1+s21+$0x0 ss:$0x1], $0xffff;
	[tilespmem:v0+s24+$0x0 ss:$0x1] =	vst.idx.msk $0xffff, v9  }
.Ltmp7:
0x6d: {  	_ = 	snop;
	(pc) =	sbr.rel .LBB2_7-.Ltmp7, $1  }
0x6e: {  	_ =	sdelay $0x3  }
.LBB2_10:
0x6f: {  	_ =	sfence.sel $0x180000  }
0x70: {  	s2 =	simm.s32 $0x1;
	[bflag:$0x0] =	sbarrier.arrive $0xFFFF  }
0x71: {  	s31 =	simm.s32 $0x2;
	[sflag:s2] =	ssyncpa.u1 $0x1  }
0x72: {  	[sflag:s31] =	ssyncpa.u1 $0x1  }
0x73: {  	_ =	strace $0x90000047  }
0x74: {  	s0 =	sadd.s32 @!p0 $0x100000, s0;
	[bflag:$0x2] =	sbarrier.arrive $0xFFFF  }
0x75: {  	[sflag:s0] =	ssyncadd.tile.s32 @!p0 $0x1;
	s0 =	simm.s32 @!p0 $0x3F  }
0x76: {  	_ =	swait.ge @!p0 [sflag:s0], s1  }
0x77: {  	s1 =	ssub.s32 @!p0 $0x0, s1;
	[sflag:s0] =	ssyncset.done @!p0 $0x0  }
0x78: {  	[sflag:s0] =	ssyncadd.s32 @!p0 s1  }
0x79: {  	[bflag:$0x3] =	sbarrier.arrive $0xFFFF  }
0x7a: {  	_ =	shalt  }
.Lfunc_end2:
execute1_lowered:
.L_overlay_start_2:
0x7b: {  	(tag) =	ssettag $0x2  }
0x7c: {  	s1 =	rddreg [dreg:$0x0]  }
0x7d: {  	s2 =	rddreg [dreg:$0x1]  }
0x7e: {  	s4 =	rddreg [dreg:$0x2]  }
0x7f: {  	s3 =	rddreg [dreg:$0x3];
	_ =	strace $0x8000004A;
	s5 =	simm.s32 $0x1  }
0x80: {  	s9 =	simm.s32 $0x108;
	v0 =	vimm.s32 $0x0;
	[sflag:s5] =	ssyncpa.u1 $0x0  }
0x81: {  	[tilespmem:s9+$0x70] =	vst v0  }
0x82: {  	[tilespmem:s9+$0x60] =	vst v0  }
0x83: {  	[tilespmem:s9+$0x50] =	vst v0  }
0x84: {  	[tilespmem:s9+$0x40] =	vst v0  }
0x85: {  	[tilespmem:s9+$0x30] =	vst v0  }
0x86: {  	[tilespmem:s9+$0x20] =	vst v0  }
0x87: {  	s5 =	sadd.s32 $0x1600, s2;
	s6 =	sadd.s32 $0x15200, s2;
	s2 =	simm.s32 $0x40;
	[tilespmem:s9+$0x10] =	vst v0  }
.LBB3_1:
0x88: {  	s2 =	sadd.s32 $0x40, s2;
	[tilespmem:s9+$0x0] =	vst v0;
	s9 =	sadd.s32 $0x80, s9  }
0x89: {  	p0 =	slt.u32 s2, $0x3C40;
	[tilespmem:s9+$0x70] =	vst v0  }
0x8a: {  	[tilespmem:s9+$0x60] =	vst v0  }
.Ltmp8:
0x8b: {  	[tilespmem:s9+$0x50] =	vst v0;
	(pc) =	sbr.rel @p0 .LBB3_1-.Ltmp8, $4  }
0x8c: {  	[tilespmem:s9+$0x40] =	vst v0  }
0x8d: {  	[tilespmem:s9+$0x30] =	vst v0  }
0x8e: {  	[tilespmem:s9+$0x20] =	vst v0  }
0x8f: {  	[tilespmem:s9+$0x10] =	vst v0  }
0x90: {  	s2 =	srdreg.scid  }
0x91: {  	s7 =	sshll.u32 s2, $0x4  }
0x92: {  	s2 =	stileid.u32;
	s7 =	sand.u32 $0x10, s7  }
0x93: {  	s8 =	sor.u32 s2, s7  }
0x94: {  	s7 =	smul.u32 $0x29, s8  }
0x95: {  	s10 =	smin.u32 s8, $0x16  }
0x96: {  	s7 =	sadd.s32 s10, s7  }
0x97: {  	p0 =	slt.u32 s8, $0x16;
	s8 =	simm.s32 $0x2760;
	s7 =	smul.u32 $0xF0, s7  }
0x98: {  	s8 =	simm.s32 @!p0 $0x2670  }
0x99: {  	s8 =	sadd.s32 s8, s7  }
0x9a: {  	s8 =	smin.u32 s8, $0x4E2A0  }
0x9b: {  	s11 =	ssub.s32 s8, s7  }
0x9c: {  	p0 =	sgt.s32 s11, $0x0  }
0x9d: {  	s11 =	simm.s32 @!p0 $0x0  }
0x9e: {  	s31 =	smulhi.u32 $0x88888889, s11;
	_ =	sdelay $0x1  }
0x9f: {  	s12 =	sshrl.u32 s31, $0x7  }
0xa0: {  	[tilespmem:s9+$0x0] =	vst v0;
	s9 =	simm.s32 $0x2;
	s13 =	smul.u32 $0xF0, s12  }
.Ltmp9:
0xa1: {  	s17 =	simm.s32 $0x0;
	s14 =	simm.s32 $0xA;
	(pc) =	sbr.rel .LBB3_3-.Ltmp9, $4  }
0xa2: {  	v0 =	vimm.s32 $0xFFFFFFFF;
	s16 =	simm.s32 $0x0;
	[sflag:s9] =	ssyncpa.u1 $0x0;
	s10 =	simm.s32 $0x9  }
0xa3: {  	[tilespmem:$0xF208] =	vst v0;
	[sflag:s10] =	ssyncpa.u1 $0x0;
	p0 =	sne.s32 s11, s13;
	s13 =	simm.s32 $0x1  }
0xa4: {  	s15 =	smov.u32 s7;
	s11 =	simm.s32 $0x1;
	s13 =	simm.s32 @!p0 $0x0  }
0xa5: {  	v0 =	vlaneseq.u32;
	p0 =	por $0x0, $0x0;
	s12 =	sadd.s32 s13, s12;
	s13 =	sshll.u32 s2, $0x8  }
.LBB3_18:
0xa6: {  	s18 =	sshrl.u32 s25, $0x2  }
.LBB3_20:
0xa7: {  	_ =	swait.ge [sflag:s14], s18  }
0xa8: {  	s0 =	ssub.s32 $0x0, s18;
	v1 =	vmov s20;
	vm0 =	veq.s32 v0, $0x0;
	[sflag:s14] =	ssyncset.done $0x0  }
0xa9: {  	vm15 =	veq.s32 v0, $0x2;
	v1 =	vsel vm0, s24, v1;
	[sflag:s14] =	ssyncadd.s32 s0  }
0xaa: {  	v1 =	vsel vm15, s17, v1;
	[sflag:s14] =	ssyncpa.u1 $0x1  }
0xab: {  	[tilespmem:$0xF208] =	vst v1  }
.LBB3_21:
0xac: {  	s0 =	sadd.s32 $0xF0, s15  }
0xad: {  	s18 =	smov.u32 s7;
	p1 =	slt.s32 s0, s8  }
0xae: {  	s18 =	smov.u32 @p1 s0;
	p1 =	sne.s32 s16, s12  }
.Ltmp10:
0xaf: {  	_ = 	snop;
	(pc) =	sbr.rel @!p1 .LBB3_22-.Ltmp10, $3  }
0xb0: {  	_ =	sdelay $0x1  }
0xb1: {  	s31 =	sadd.s32 $0x1, s16;
	s17 =	smov.u32 s15  }
0xb2: {  	p0 =	por !p0, !p0;
	s16 =	smov.u32 s31;
	s15 =	smov.u32 s18  }
.LBB3_3:
0xb3: {  	p1 =	sge.u32 s16, s12  }
0xb4: {  	p2 =	sgt.s32 @!p1 s15, $0x4E1B0  }
0xb5: {  	s18 =	smov.u32 s15;
	s19 =	sshra.s32 @!p1 s15, $0x1F;
	p2 =	por !p2, p1  }
0xb6: {  	s19 =	sand.u32 @!p1 s19, s15;
	s18 =	simm.s32 @p2 $0x4E1B0  }
0xb7: {  	s18 =	ssub.s32 @!p1 s18, s19  }
0xb8: {  	s19 =	sxor.u32 @!p1 $0xFFFFFFFF, s16;
	s18 =	sadd.s32 @!p1 $0xFFFB1E50, s18  }
0xb9: {  	s19 =	sand.u32 @!p1 $0x1, s19;
	s20 =	sshll.u32 @!p1 s18, $0x2  }
0xba: {  	p2 =	sgt.s32 @!p1 s18, $0xEF;
	s18 =	ssub.s32 @!p1 $0x3C0, s20;
	s20 =	smul.u32 @!p1 $0x3C0, s19  }
0xbb: {  	s21 =	sshrl.u32 @!p1 s15, $0x3;
	s22 =	sand.u32 @!p1 $0x7, s15  }
0xbc: {  	p2 =	por !p2, p1;
	s18 =	sshrl.u32 @!p1 s18, $0x2;
	s20 =	sshrl.u32 @!p1 s20, $0x2  }
0xbd: {  	s21 =	sadd.s32 @!p1 s5, s21;
	s18 =	simm.s32 @!p2 $0x0;
	s20 =	sadd.s32 @!p1 $0x10248, s20  }
0xbe: {  	[tilespmem:s20], [sflag:$0x9] =	stream.linear.gather @!p1 [hbm4b:s21+s22], s18, $0x38;
	[tilespmem:$0x1F428] =	vst v63  }
0xbf: {  	s18 =	ssub.s32 @!p1 $0x4E200, s15  }
0xc0: {  	p2 =	sgt.s32 @!p1 s18, $0x0  }
0xc1: {  	s19 =	smul.u32 @!p1 $0x1E000, s19;
	p2 =	por !p2, p1  }
0xc2: {  	s18 =	simm.s32 @p2 $0x0  }
0xc3: {  	s19 =	sshrl.u32 @!p1 s19, $0x2;
	s20 =	sshll.u32 @!p1 s15, $0x4;
	s18 =	smin.u32 @!p1 s18, $0xF0  }
0xc4: {  	s19 =	sor.u32 @!p1 $0x10428, s19;
	s20 =	sadd.s32 @!p1 s6, s20;
	s18 =	sshll.u32 @!p1 s18, $0x7  }
0xc5: {  	[tilespmem:s19], [sflag:$0x9] =	stream.linear.gather @!p1 [hbm:s20], s18, $0x38;
	[tilespmem:$0x1F428] =	vst v63  }
0xc6: {  	p1 =	seq.s32 s16, $0x0  }
.Ltmp11:
0xc7: {  	_ = 	snop;
	(pc) =	sbr.rel @p1 .LBB3_21-.Ltmp11, $1  }
0xc8: {  	_ =	sdelay $0x3  }
0xc9: {  	p1 =	sgt.s32 s17, $0x4E1B0  }
0xca: {  	s18 =	smov.u32 s17;
	s19 =	sshra.s32 s17, $0x1F;
	s20 =	ssub.s32 $0x4E200, s17  }
0xcb: {  	s18 =	simm.s32 @!p1 $0x4E1B0;
	s19 =	sand.u32 s19, s17;
	p1 =	sgt.s32 s20, $0x0  }
0xcc: {  	s18 =	ssub.s32 s18, s19;
	s20 =	simm.s32 @!p1 $0x0  }
0xcd: {  	s18 =	sadd.s32 $0xFFFB1E50, s18;
	s29 =	smin.u32 s20, $0xF0  }
0xce: {  	s21 =	sshll.u32 s18, $0x2;
	s19 =	sshll.u32 s29, $0x7  }
0xcf: {  	p1 =	sgt.s32 s18, $0xEF;
	s30 =	ssub.s32 $0x3C0, s21;
	_ =	swait.ge [sflag:s10], s19  }
0xd0: {  	s19 =	ssub.s32 $0x0, s19;
	[sflag:s10] =	ssyncset.done $0x0;
	s18 =	sshrl.u32 s30, $0x2  }
0xd1: {  	[sflag:s10] =	ssyncadd.s32 s19;
	s18 =	simm.s32 @p1 $0x0  }
0xd2: {  	_ =	swait.ge [sflag:s10], s18  }
0xd3: {  	s18 =	ssub.s32 $0x0, s18;
	[sflag:s10] =	ssyncset.done $0x0  }
0xd4: {  	[sflag:s10] =	ssyncadd.s32 s18  }
0xd5: {  	v1 =	vld [tilespmem:$0xF208];
	_ =	sdelay $0x4  }
0xd6: {  	(v2sf) =	vpush v1, $0x0  }
0xd7: {  	(v2sf) =	vpush v1, $0x1  }
0xd8: {  	(v2sf) =	vpush v1, $0x2;
	_ =	sdelay $0x3  }
0xd9: {  	s18 =	sadd.s32 $0xF0, s17  }
0xda: {  	p1 =	slt.s32 s8, s18  }
0xdb: {  	s18 =	smov.u32 @p1 s8  }
0xdc: {  	s18 =	ssub.s32 s18, s17  }
0xdd: {  	p1 =	slt.s32 s20, s18  }
0xde: {  	s18 =	smov.u32 @p1 s20  }
0xdf: {  	s21 =	simm.s32 $0x1;
	p1 =	slt.s32 s18, $0x1  }
.Ltmp12:
0xe0: {  	s21 =	simm.s32 @!p0 $0x0;
	(pc) =	sbr.rel @p1 .LBB3_8-.Ltmp12, $4  }
0xe1: {  	s31 =	smul.u32 $0x3C0, s21  }
0xe2: {  	s22 =	spop (v2sf)  }
0xe3: {  	s17 =	sshrl.u32 s31, $0x2;
	s24 =	spop (v2sf)  }
0xe4: {  	s19 =	sadd.s32 $0x10248, s17;
	s17 =	spop (v2sf)  }
0xe5: {  	s20 =	smin.u32 s18, $0x10  }
0xe6: {  	v1 =	vmov s20  }
0xe7: {  	p2 =	sgt.s32 s18, $0x10;
	vm1 =	vgt.u32 v1, v0  }
.Ltmp13:
0xe8: {  	_ = 	snop;
	(pc) =	sbr.rel @!p2 .LBB3_7-.Ltmp13, $2  }
0xe9: {  	_ =	sdelay $0x2  }
0xea: {  	s23 =	simm.s32 $0x10;
	s25 =	sadd.s32 $0xFFFFFFF0, s18;
	s20 =	smov.u32 s19;
	vm0 =	vmmov vm1  }
.LBB3_6:
0xeb: {  	s26 =	smin.u32 s25, $0x10;
	s23 =	sadd.s32 $0x10, s23;
	v1 =	vld.msk [tilespmem:s20+$0x0 ss:$0x1], vm1  }
0xec: {  	v2 =	vmov s26;
	p2 =	slt.s32 s23, s18  }
0xed: {  	vm1 =	vgt.u32 v2, v0  }
.Ltmp14:
0xee: {  	(pc) =	sbr.rel @p2 .LBB3_6-.Ltmp14, $3  }
0xef: {  	_ =	sdelay $0x1  }
0xf0: {  	v1 =	vshll.u32 v1, $0x4  }
0xf1: {  	s25 =	sadd.s32 $0xFFFFFFF0, s25;
	[tilespmem:s20+$0x0] =	vst.msk vm0, v1;
	s20 =	sadd.s32 $0x10, s20;
	vm0 =	vmmov vm1  }
.LBB3_7:
0xf2: {  	_ =	sdelay $0x4  }
0xf3: {  	v1 =	vld.msk [tilespmem:s20+$0x0 ss:$0x1], vm1;
	_ =	sdelay $0x4  }
0xf4: {  	v1 =	vshll.u32 v1, $0x4  }
0xf5: {  	[tilespmem:s20+$0x0] =	vst.msk vm0, v1  }
.LBB3_8:
0xf6: {  	s20 =	sand.u32 $0x1, s16  }
0xf7: {  	s20 =	smul.u32 $0xF0, s20  }
0xf8: {  	p2 =	sne.s32 s24, $0xFFFFFFFF  }
0xf9: {  	v1 =	vld.msk @!p2 [tilespmem:s20+$0x10248], $0x1;
	_ =	sdelay $0x4  }
0xfa: {  	(v2sf) =	vpush @!p2 v1, $0x0;
	_ =	sdelay $0xc  }
.Ltmp15:
0xfb: {  	_ = 	snop;
	(pc) =	sbr.rel @p1 .LBB3_19-.Ltmp15, $4  }
0xfc: {  	_ = 	snop  }
0xfd: {  	s23 =	spop @!p2 (v2sf)  }
0xfe: {  	s17 =	simm.s32 @!p2 $0x0;
	s20 =	smov.u32 s23  }
0xff: {  	[sflag:s14] =	ssyncpa.u1 $0x0;
	s23 =	smov.u32 @p2 s22;
	s20 =	smov.u32 @p2 s24  }
0x100: {  	v1 =	vld.msk [tilespmem:s19+$0x0], $0x1;
	_ =	sdelay $0x4  }
0x101: {  	(v2sf) =	vpush v1, $0x0;
	_ =	sdelay $0xe  }
0x102: {  	s26 =	spop (v2sf)  }
0x103: {  	p1 =	seq.s32 s23, s26  }
0x104: {  	p2 =	sgt.s32 @!p1 s23, $0x0  }
0x105: {  	s25 =	smov.u32 s23;
	s24 =	sadd.s32 $0xFFFFFFFF, s18;
	p2 =	por !p2, p1  }
0x106: {  	s21 =	smul.u32 $0x1E000, s21;
	s25 =	simm.s32 @p2 $0x0;
	p2 =	sne.s32 s24, $0x0  }
.Ltmp16:
0x107: {  	_ = 	snop;
	(pc) =	sbr.rel @!p2 .LBB3_11-.Ltmp16, $4  }
0x108: {  	s22 =	simm.s32 $0x0;
	s21 =	sshrl.u32 s21, $0x2  }
0x109: {  	s21 =	sor.u32 $0x10468, s21;
	s28 =	simm.s32 @!p1 $0x1;
	s25 =	smin.u32 @!p1 s25, $0x270F0  }
0x10a: {  	s29 =	simm.s32 @!p1 $0x7988;
	s28 =	smov.u32 @p1 s22;
	s31 =	sand.u32 @!p1 $0x3FFF8, s25  }
0x10b: {  	s30 =	sand.u32 @!p1 $0x7, s25;
	s25 =	sadd.s32 $0x1, s19;
	s31 =	sadd.s32 @!p1 s1, s31  }
.LBB3_10:
0x10c: {  	s0 =	smov.u32 s28  }
0x10d: {  	[tilespmem:s29], [sflag:$0x2] =	stream.linear.gather @!p1 [hbm4b:s31+s30], $0x80, $0x38;
	[tilespmem:$0x1F428] =	vst v63  }
0x10e: {  	s24 =	sadd.s32 $0xFFFFFFFF, s24;
	s30 =	smov.u32 s26;
	v1 =	vld.msk [tilespmem:s25+$0x0], $0x1  }
0x10f: {  	p2 =	sne.s32 s24, $0x0;
	_ =	sdelay $0x3  }
0x110: {  	(v2sf) =	vpush v1, $0x0;
	_ =	sdelay $0xe  }
0x111: {  	s26 =	spop (v2sf)  }
0x112: {  	p1 =	seq.s32 s30, s26  }
0x113: {  	p3 =	sgt.s32 @!p1 s30, $0x0;
	s29 =	sshll.u32 @!p1 s28, $0x9;
	s28 =	sadd.s32 @!p1 $0x1, s28  }
.Ltmp17:
0x114: {  	p3 =	por !p3, p1;
	s29 =	sshra.s32 @!p1 s29, $0x2;
	(pc) =	sbr.rel @p2 .LBB3_10-.Ltmp17, $4  }
0x115: {  	s28 =	smov.u32 @p1 s0;
	s30 =	simm.s32 @p3 $0x0;
	s29 =	sadd.s32 @!p1 $0x7988, s29  }
0x116: {  	s0 =	smin.u32 @!p1 s30, $0x270F0  }
0x117: {  	s31 =	sand.u32 @!p1 $0x3FFF8, s0;
	s30 =	sand.u32 @!p1 $0x7, s0  }
0x118: {  	s25 =	sadd.s32 $0x1, s25;
	s31 =	sadd.s32 @!p1 s1, s31  }
.LBB3_11:
0x119: {  	[tilespmem:s29], [sflag:$0x2] =	stream.linear.gather @!p1 [hbm4b:s31+s30], $0x80, $0x38;
	[tilespmem:$0x1F428] =	vst v63  }
.Ltmp18:
0x11a: {  	s0 =	sshll.u32 s28, $0x7;
	(pc) =	sbr.rel .LBB3_12-.Ltmp18, $4  }
0x11b: {  	s0 =	sand.u32 $0x3FFFFF80, s0  }
0x11c: {  	_ =	swait.ge [sflag:s9], s0  }
0x11d: {  	s0 =	ssub.s32 $0x0, s0;
	[sflag:s9] =	ssyncset.done $0x0  }
0x11e: {  	s25 =	simm.s32 $0x0;
	[sflag:s9] =	ssyncadd.s32 s0  }
.LBB3_13:
0x11f: {  	v1 =	vld [tilespmem:s21+$0xFFFFFFC0];
	_ =	sdelay $0x3  }
0x120: {  	s0 =	sshra.s32 s26, $0x2  }
0x121: {  	[tilespmem:s0+$0x108] =	vst.add.f32.msk $0xffff, v1  }
0x122: {  	v1 =	vld [tilespmem:s21+$0xFFFFFFD0];
	_ =	sdelay $0x4  }
0x123: {  	[tilespmem:s0+$0x118] =	vst.add.f32.msk $0xffff, v1  }
0x124: {  	v1 =	vld [tilespmem:s21+$0xFFFFFFE0];
	_ =	sdelay $0x4  }
0x125: {  	[tilespmem:s0+$0x128] =	vst.add.f32.msk $0xffff, v1  }
0x126: {  	v1 =	vld [tilespmem:s21+$0xFFFFFFF0];
	_ =	sdelay $0x4  }
0x127: {  	[tilespmem:s0+$0x138] =	vst.add.f32.msk $0xffff, v1  }
0x128: {  	v1 =	vld [tilespmem:s21+$0x0];
	_ =	sdelay $0x4  }
0x129: {  	[tilespmem:s0+$0x148] =	vst.add.f32.msk $0xffff, v1  }
0x12a: {  	v1 =	vld [tilespmem:s21+$0x10];
	_ =	sdelay $0x4  }
0x12b: {  	[tilespmem:s0+$0x158] =	vst.add.f32.msk $0xffff, v1  }
0x12c: {  	v1 =	vld [tilespmem:s21+$0x20];
	_ =	sdelay $0x4  }
0x12d: {  	[tilespmem:s0+$0x168] =	vst.add.f32.msk $0xffff, v1  }
0x12e: {  	v1 =	vld [tilespmem:s21+$0x30];
	_ =	sdelay $0x4  }
0x12f: {  	[tilespmem:s0+$0x178] =	vst.add.f32.msk $0xffff, v1  }
.LBB3_17:
0x130: {  	s18 =	sadd.s32 $0xFFFFFFFF, s18  }
0x131: {  	p1 =	sne.s32 s18, $0x0  }
.Ltmp19:
0x132: {  	_ = 	snop;
	(pc) =	sbr.rel @!p1 .LBB3_18-.Ltmp19, $2  }
0x133: {  	_ =	sdelay $0x2  }
0x134: {  	s19 =	sadd.s32 $0x1, s19;
	s21 =	sadd.s32 $0x80, s21;
	s23 =	smov.u32 s24  }
.LBB3_12:
0x135: {  	v1 =	vld.msk [tilespmem:s19+$0x0], $0x1;
	_ =	sdelay $0x4  }
0x136: {  	(v2sf) =	vpush v1, $0x0;
	_ =	sdelay $0xe  }
0x137: {  	s24 =	spop (v2sf)  }
0x138: {  	p1 =	sne.s32 s23, s24  }
.Ltmp20:
0x139: {  	_ = 	snop;
	(pc) =	sbr.rel @!p1 .LBB3_13-.Ltmp20, $2  }
0x13a: {  	_ =	sdelay $0x2  }
0x13b: {  	s26 =	sshll.u32 s17, $0x9  }
0x13c: {  	p1 =	seq.s32 s23, s20  }
.Ltmp21:
0x13d: {  	_ = 	snop;
	(pc) =	sbr.rel @!p1 .LBB3_15-.Ltmp21, $1  }
0x13e: {  	_ =	sdelay $0x3  }
0x13f: {  	s0 =	sshra.s32 s26, $0x2  }
.Ltmp22:
0x140: {  	s0 =	sadd.s32 $0x108, s0;
	(pc) =	sbr.rel .LBB3_16-.Ltmp22, $4  }
0x141: {  	[spmem:s13] =	stream.linear.scatter [tilespmem:s0], [sflag:$0x1], $0x80, $0x38;
	[tilespmem:$0x1F428] =	vst v63  }
0x142: {  	_ =	swait.ge [sflag:s11], $0x80  }
0x143: {  	[sflag:s11] =	ssyncset.done $0x0  }
0x144: {  	[sflag:s11] =	ssyncadd.s32 $0xFFFFFF80  }
.LBB3_15:
0x145: {  	s0 =	sshll.u32 s22, $0x9  }
0x146: {  	s0 =	sshra.s32 s0, $0x2  }
0x147: {  	v1 =	vld [tilespmem:s0+$0x7988];
	_ =	sdelay $0x3  }
0x148: {  	s26 =	sshra.s32 s26, $0x2  }
0x149: {  	[tilespmem:s26+$0x108] =	vst.add.f32.msk $0xffff, v1  }
0x14a: {  	v1 =	vld [tilespmem:s0+$0x7998];
	_ =	sdelay $0x4  }
0x14b: {  	[tilespmem:s26+$0x118] =	vst.add.f32.msk $0xffff, v1  }
0x14c: {  	v1 =	vld [tilespmem:s0+$0x79A8];
	_ =	sdelay $0x4  }
0x14d: {  	[tilespmem:s26+$0x128] =	vst.add.f32.msk $0xffff, v1  }
0x14e: {  	v1 =	vld [tilespmem:s0+$0x79B8];
	_ =	sdelay $0x4  }
0x14f: {  	[tilespmem:s26+$0x138] =	vst.add.f32.msk $0xffff, v1  }
0x150: {  	v1 =	vld [tilespmem:s0+$0x79C8];
	_ =	sdelay $0x4  }
0x151: {  	[tilespmem:s26+$0x148] =	vst.add.f32.msk $0xffff, v1  }
0x152: {  	v1 =	vld [tilespmem:s0+$0x79D8];
	_ =	sdelay $0x4  }
0x153: {  	[tilespmem:s26+$0x158] =	vst.add.f32.msk $0xffff, v1  }
0x154: {  	v1 =	vld [tilespmem:s0+$0x79E8];
	_ =	sdelay $0x4  }
0x155: {  	[tilespmem:s26+$0x168] =	vst.add.f32.msk $0xffff, v1  }
0x156: {  	v1 =	vld [tilespmem:s0+$0x79F8];
	_ =	sdelay $0x2  }
0x157: {  	p1 =	sgt.u32 s23, $0x270F0  }
0x158: {  	s0 =	sand.u32 @!p1 $0x3FFF8, s23  }
0x159: {  	s28 =	sadd.s32 $0x108, s26;
	s23 =	sand.u32 @!p1 $0x7, s23;
	s0 =	sadd.s32 @!p1 s1, s0;
	[tilespmem:s26+$0x178] =	vst.add.f32.msk $0xffff, v1  }
0x15a: {  	[hbm4b:s0+s23] =	stream.linear.scatter @!p1 [tilespmem:s28], [sflag:$0xA], $0x80, $0x38;
	[tilespmem:$0x1F428] =	vst v63  }
0x15b: {  	s23 =	simm.s32 $0x0  }
0x15c: {  	s23 =	simm.s32 @!p1 $0x200  }
0x15d: {  	s25 =	sadd.s32 s23, s25  }
.LBB3_16:
0x15e: {  	s0 =	sadd.s32 $0x1, s17  }
0x15f: {  	s17 =	smulhi.u32 $0x88888889, s0;
	_ =	sdelay $0x1  }
0x160: {  	v1 =	vld [tilespmem:s21+$0xFFFFFFC0];
	s17 =	sshrl.u32 s17, $0x7  }
0x161: {  	s17 =	smul.u32 $0xF0, s17;
	_ =	sdelay $0x1  }
0x162: {  	s17 =	ssub.s32 s0, s17  }
0x163: {  	s0 =	sshll.u32 s17, $0x7  }
0x164: {  	[tilespmem:s0+$0x108] =	vst v1  }
0x165: {  	v1 =	vld [tilespmem:s21+$0xFFFFFFD0];
	_ =	sdelay $0x4  }
0x166: {  	[tilespmem:s0+$0x118] =	vst v1  }
0x167: {  	v1 =	vld [tilespmem:s21+$0xFFFFFFE0];
	_ =	sdelay $0x4  }
0x168: {  	[tilespmem:s0+$0x128] =	vst v1  }
0x169: {  	v1 =	vld [tilespmem:s21+$0xFFFFFFF0];
	_ =	sdelay $0x4  }
0x16a: {  	[tilespmem:s0+$0x138] =	vst v1  }
0x16b: {  	v1 =	vld [tilespmem:s21+$0x0];
	_ =	sdelay $0x4  }
0x16c: {  	[tilespmem:s0+$0x148] =	vst v1  }
0x16d: {  	v1 =	vld [tilespmem:s21+$0x10];
	_ =	sdelay $0x4  }
0x16e: {  	[tilespmem:s0+$0x158] =	vst v1  }
0x16f: {  	v1 =	vld [tilespmem:s21+$0x20];
	_ =	sdelay $0x4  }
0x170: {  	[tilespmem:s0+$0x168] =	vst v1  }
0x171: {  	v1 =	vld [tilespmem:s21+$0x30]  }
.Ltmp23:
0x172: {  	_ = 	snop;
	(pc) =	sbr.rel .LBB3_17-.Ltmp23, $2  }
0x173: {  	_ =	sdelay $0x2  }
0x174: {  	s22 =	sadd.s32 $0x1, s22;
	[tilespmem:s0+$0x178] =	vst v1  }
.LBB3_19:
.Ltmp24:
0x175: {  	(pc) =	sbr.rel .LBB3_20-.Ltmp24, $3  }
0x176: {  	_ =	sdelay $0x1  }
0x177: {  	_ =	swait.ge [sflag:s9], $0x0  }
0x178: {  	s18 =	simm.s32 $0x0;
	s24 =	smov.u32 s23;
	[sflag:s9] =	ssyncset.done $0x0  }
.LBB3_22:
0x179: {  	_ =	sfence.sel $0x180000  }
0x17a: {  	s0 =	simm.s32 $0x9;
	[bflag:$0x0] =	sbarrier.arrive $0xFFFF  }
0x17b: {  	s26 =	simm.s32 $0x2;
	[sflag:s0] =	ssyncpa.u1 $0x1  }
0x17c: {  	[sflag:s26] =	ssyncpa.u1 $0x1  }
0x17d: {  	v0 =	vld [tilespmem:$0xF208];
	_ =	sdelay $0x4  }
0x17e: {  	(v2sf) =	vpush v0, $0x0  }
0x17f: {  	(v2sf) =	vpush v0, $0x1;
	_ =	sdelay $0x1  }
0x180: {  	(v2sf) =	vpush v0, $0x2;
	_ =	sdelay $0xb  }
0x181: {  	s0 =	spop (v2sf)  }
0x182: {  	s5 =	spop (v2sf)  }
0x183: {  	s6 =	smov.u32 s0;
	p0 =	sne.s32 s0, s5  }
0x184: {  	s7 =	spop (v2sf);
	s6 =	simm.s32 @!p0 $0xFFFFFFFF  }
0x185: {  	v2 =	vimm.s32 $0x1;
	v3 =	vlaneseq.u32;
	p0 =	seq.s32 s7, $0xFFFFFFFF;
	v1 =	vmov s6  }
0x186: {  	v0 =	vperm.xlane v0, v2;
	p1 =	sne.s32 @!p0 s0, s5;
	v1 =	vperm.xlane v1, v3  }
0x187: {  	vm0 =	vcmask $0x3F04;
	s9 =	simm.s32 $0xF208;
	s0 =	simm.s32 @!p0 $0x1;
	p1 =	por !p1, p0  }
0x188: {  	s6 =	sshll.u32 s2, $0x1;
	s5 =	sshll.u32 @!p0 s7, $0x9;
	s0 =	simm.s32 @p1 $0x0;
	v0 =	vsel vm0, v1, v0  }
0x189: {  	s8 =	sor.u32 $0x1000, s6;
	s5 =	sshra.s32 @!p0 s5, $0x2;
	s0 =	sor.u32 @!p0 s0, s6;
	[tilespmem:$0xF208] =	vst v0  }
0x18a: {  	[spmem:s8] =	stream.linear.scatter [tilespmem:s9], [sflag:$0x1], $0x2, $0x38;
	[tilespmem:$0x1F428] =	vst v63  }
0x18b: {  	s5 =	sadd.s32 @!p0 $0x108, s5;
	s0 =	sshll.u32 @!p0 s0, $0x7  }
0x18c: {  	[spmem:s0] =	stream.linear.scatter @!p0 [tilespmem:s5], [sflag:$0x1], $0x80, $0x38;
	[tilespmem:$0x1F428] =	vst v63  }
0x18d: {  	s0 =	simm.s32 @!p0 $0x82  }
0x18e: {  	s28 =	simm.s32 $0x1;
	s0 =	simm.s32 @p0 $0x2  }
0x18f: {  	_ =	swait.ge [sflag:s28], s0  }
0x190: {  	s0 =	ssub.s32 $0x0, s0;
	[sflag:s28] =	ssyncset.done $0x0  }
0x191: {  	p0 =	sne.s32 s2, $0x0;
	[sflag:s28] =	ssyncadd.s32 s0  }
.Ltmp25:
0x192: {  	_ =	sfence.stream.spmem;
	(pc) =	sbr.rel @p0 .LBB3_39-.Ltmp25, $4  }
0x193: {  	s29 =	simm.s32 $0x3;
	[bflag:$0x0] =	sbarrier.arrive $0xFFFF  }
0x194: {  	s30 =	simm.s32 $0x4;
	[sflag:s29] =	ssyncpa.u1 $0x1  }
0x195: {  	s31 =	simm.s32 $0x3C;
	[sflag:s30] =	ssyncpa.u1 $0x1  }
0x196: {  	s5 =	sand.u32 $0x1, s4;
	[sflag:s31] =	ssyncpa.u1 $0x1  }
0x197: {  	_ =	sfence.stream.spmem;
	s0 =	simm.s32 $0x5  }
0x198: {  	s6 =	simm.s32 $0x1000;
	s7 =	simm.s32 $0xF218;
	[sflag:s0] =	ssyncpa.u1 $0x0  }
0x199: {  	[tilespmem:s7], [sflag:$0x5] =	stream.linear.gather [spmem:s6], $0x20, $0x38;
	[tilespmem:$0x1F428] =	vst v63  }
0x19a: {  	s26 =	simm.s32 $0x0;
	s28 =	simm.s32 $0xF238  }
0x19b: {  	[tilespmem:s28], [sflag:$0x5] =	stream.linear.gather [spmem:s26], $0x1000, $0x38;
	[tilespmem:$0x1F428] =	vst v63  }
0x19c: {  	_ =	swait.ge [sflag:s0], $0x1020  }
0x19d: {  	[sflag:s0] =	ssyncset.done $0x0  }
0x19e: {  	s29 =	simm.s32 $0x0;
	[sflag:s0] =	ssyncadd.s32 $0xFFFFEFE0  }
0x19f: {  	v0 =	vld.msk [tilespmem:s29+$0xF218], $0x1;
	_ =	sdelay $0x1  }
0x1a0: {  	s30 =	simm.s32 $0x1  }
0x1a1: {  	v1 =	vld.msk [tilespmem:s30+$0xF218], $0x1;
	_ =	sdelay $0x1  }
0x1a2: {  	(v2sf) =	vpush v0, $0x0;
	_ =	sdelay $0x2  }
0x1a3: {  	(v2sf) =	vpush v1, $0x0;
	_ =	sdelay $0x2  }
0x1a4: {  	s31 =	simm.s32 $0x2  }
0x1a5: {  	v0 =	vld.msk [tilespmem:s31+$0xF218], $0x1;
	_ =	sdelay $0x2  }
0x1a6: {  	s8 =	simm.s32 $0xFFFFFFFF;
	s7 =	simm.s32 $0xFFFFFFFF;
	s6 =	simm.s32 $0xC  }
.LBB3_24:
0x1a7: {  	s0 =	smov.u32 s8;
	s9 =	smov.u32 s7  }
0x1a8: {  	s7 =	sshra.s32 s6, $0x2;
	p1 =	sne.s32 s6, $0x7C;
	s6 =	sadd.s32 $0x4, s6;
	(v2sf) =	vpush v0, $0x0  }
0x1a9: {  	v0 =	vld.msk [tilespmem:s7+$0xF218], $0x1  }
.Ltmp26:
0x1aa: {  	(pc) =	sbr.rel @p1 .LBB3_24-.Ltmp26, $4  }
0x1ab: {  	s8 =	spop (v2sf)  }
0x1ac: {  	p2 =	sne.s32 s9, $0xFFFFFFFF;
	s7 =	smov.u32 s8  }
0x1ad: {  	p3 =	seq.s32 s8, $0xFFFFFFFF;
	s7 =	smov.u32 @p2 s9  }
0x1ae: {  	s8 =	smov.u32 @p3 s0;
	s7 =	smov.u32 @p3 s9  }
0x1af: {  	(v2sf) =	vpush v0, $0x0;
	_ =	sdelay $0x8  }
0x1b0: {  	s0 =	spop (v2sf)  }
0x1b1: {  	p1 =	sne.s32 s7, $0xFFFFFFFF;
	s6 =	smov.u32 s0  }
0x1b2: {  	s9 =	simm.s32 $0x6;
	p2 =	seq.s32 s0, $0xFFFFFFFF;
	s6 =	smov.u32 @p1 s7  }
0x1b3: {  	[sflag:s9] =	ssyncpa.u1 $0x0;
	s6 =	smov.u32 @p2 s7;
	s10 =	spop (v2sf)  }
0x1b4: {  	s0 =	smov.u32 @p2 s8;
	p1 =	sne.s32 s6, $0xFFFFFFFF;
	s11 =	smov.u32 s10  }
.Ltmp27:
0x1b5: {  	p2 =	seq.s32 s10, $0xFFFFFFFF;
	s11 =	smov.u32 @p1 s6;
	(pc) =	sbr.rel .LBB3_26-.Ltmp27, $4  }
0x1b6: {  	s10 =	smov.u32 @p2 s0;
	s11 =	smov.u32 @p2 s6;
	s7 =	spop (v2sf)  }
0x1b7: {  	p1 =	sne.s32 s11, $0xFFFFFFFF;
	s8 =	smov.u32 s7;
	p2 =	seq.s32 s7, $0xFFFFFFFF  }
0x1b8: {  	s6 =	simm.s32 $0x0;
	s8 =	smov.u32 @p1 s11;
	s7 =	smov.u32 @p2 s10  }
0x1b9: {  	s10 =	simm.s32 $0xF188;
	s8 =	smov.u32 @p2 s11;
	s11 =	simm.s32 $0x0  }
.LBB3_32:
0x1ba: {  	p1 =	sgt.u32 s12, $0x270F0  }
0x1bb: {  	p2 =	seq.s32 @!p1 s12, s8  }
0x1bc: {  	p1 =	por p1, p2  }
0x1bd: {  	p2 =	sne.s32 @!p1 s12, s7  }
0x1be: {  	p1 =	por p1, !p2  }
0x1bf: {  	s12 =	sshll.u32 @p1 s11, $0x9  }
0x1c0: {  	s0 =	sand.u32 @!p1 $0x3FFF8, s12  }
0x1c1: {  	s12 =	sand.u32 @!p1 $0x7, s12;
	s0 =	sadd.s32 @!p1 s1, s0  }
0x1c2: {  	[tilespmem:s10], [sflag:$0x6] =	stream.linear.gather @!p1 [hbm4b:s0+s12], $0x80, $0x38;
	[tilespmem:$0x1F428] =	vst v63  }
0x1c3: {  	_ =	swait.ge @!p1 [sflag:s9], $0x80  }
0x1c4: {  	[sflag:s9] =	ssyncset.done @!p1 $0x0  }
0x1c5: {  	[sflag:s9] =	ssyncadd.s32 @!p1 $0xFFFFFF80  }
0x1c6: {  	v1 =	vld @!p1 [tilespmem:$0xF188];
	_ =	sdelay $0x2  }
0x1c7: {  	s12 =	sshll.u32 @!p1 s11, $0x9  }
0x1c8: {  	s0 =	sshrl.u32 @!p1 s12, $0x2  }
0x1c9: {  	[tilespmem:s0+$0xF238] =	vst.add.f32.msk @!p1 $0xffff, v1  }
0x1ca: {  	v1 =	vld @!p1 [tilespmem:$0xF198];
	_ =	sdelay $0x4  }
0x1cb: {  	[tilespmem:s0+$0xF248] =	vst.add.f32.msk @!p1 $0xffff, v1  }
0x1cc: {  	v1 =	vld @!p1 [tilespmem:$0xF1A8];
	_ =	sdelay $0x4  }
0x1cd: {  	[tilespmem:s0+$0xF258] =	vst.add.f32.msk @!p1 $0xffff, v1  }
0x1ce: {  	v1 =	vld @!p1 [tilespmem:$0xF1B8];
	_ =	sdelay $0x4  }
0x1cf: {  	[tilespmem:s0+$0xF268] =	vst.add.f32.msk @!p1 $0xffff, v1  }
0x1d0: {  	v1 =	vld @!p1 [tilespmem:$0xF1C8];
	_ =	sdelay $0x4  }
0x1d1: {  	[tilespmem:s0+$0xF278] =	vst.add.f32.msk @!p1 $0xffff, v1  }
0x1d2: {  	v1 =	vld @!p1 [tilespmem:$0xF1D8];
	_ =	sdelay $0x4  }
0x1d3: {  	[tilespmem:s0+$0xF288] =	vst.add.f32.msk @!p1 $0xffff, v1  }
0x1d4: {  	v1 =	vld @!p1 [tilespmem:$0xF1E8];
	_ =	sdelay $0x4  }
0x1d5: {  	[tilespmem:s0+$0xF298] =	vst.add.f32.msk @!p1 $0xffff, v1  }
0x1d6: {  	v1 =	vld @!p1 [tilespmem:$0xF1F8];
	_ =	sdelay $0x4  }
0x1d7: {  	[tilespmem:s0+$0xF2A8] =	vst.add.f32.msk @!p1 $0xffff, v1  }
0x1d8: {  	s30 =	sshrl.u32 s12, $0x2;
	[tilespmem:s6+$0xF218] =	vst.msk $0x1, v0  }
0x1d9: {  	v0 =	vld [tilespmem:s30+$0xF238];
	_ =	sdelay $0x2  }
0x1da: {  	s31 =	sshll.u32 s6, $0x9  }
0x1db: {  	s12 =	sshra.s32 s31, $0x2  }
0x1dc: {  	[tilespmem:s12+$0xF238] =	vst v0  }
0x1dd: {  	v0 =	vld [tilespmem:s30+$0xF248];
	_ =	sdelay $0x4  }
0x1de: {  	[tilespmem:s12+$0xF248] =	vst v0  }
0x1df: {  	v0 =	vld [tilespmem:s30+$0xF258];
	_ =	sdelay $0x4  }
0x1e0: {  	[tilespmem:s12+$0xF258] =	vst v0  }
0x1e1: {  	v0 =	vld [tilespmem:s30+$0xF268];
	_ =	sdelay $0x4  }
0x1e2: {  	[tilespmem:s12+$0xF268] =	vst v0  }
0x1e3: {  	v0 =	vld [tilespmem:s30+$0xF278];
	_ =	sdelay $0x4  }
0x1e4: {  	[tilespmem:s12+$0xF278] =	vst v0  }
0x1e5: {  	v0 =	vld [tilespmem:s30+$0xF288];
	_ =	sdelay $0x4  }
0x1e6: {  	[tilespmem:s12+$0xF288] =	vst v0  }
0x1e7: {  	v0 =	vld [tilespmem:s30+$0xF298];
	_ =	sdelay $0x4  }
0x1e8: {  	[tilespmem:s12+$0xF298] =	vst v0  }
0x1e9: {  	v0 =	vld [tilespmem:s30+$0xF2A8];
	_ =	sdelay $0x4  }
0x1ea: {  	s6 =	sadd.s32 $0x1, s6;
	[tilespmem:s12+$0xF2A8] =	vst v0  }
.LBB3_33:
0x1eb: {  	s11 =	sadd.s32 $0x1, s11  }
0x1ec: {  	p1 =	sne.s32 s11, $0x20  }
.Ltmp28:
0x1ed: {  	_ = 	snop;
	(pc) =	sbr.rel @!p1 .LBB3_34-.Ltmp28, $1  }
0x1ee: {  	_ =	sdelay $0x3  }
.LBB3_26:
0x1ef: {  	v0 =	vld.msk [tilespmem:s11+$0xF218], $0x1;
	_ =	sdelay $0x4  }
0x1f0: {  	(v2sf) =	vpush v0, $0x0;
	_ =	sdelay $0xe  }
0x1f1: {  	s12 =	spop (v2sf)  }
0x1f2: {  	p1 =	seq.s32 s12, $0xFFFFFFFF  }
.Ltmp29:
0x1f3: {  	_ = 	snop;
	(pc) =	sbr.rel @p1 .LBB3_33-.Ltmp29, $1  }
0x1f4: {  	_ =	sdelay $0x3  }
0x1f5: {  	p1 =	slt.s32 s6, $0x1  }
.Ltmp30:
0x1f6: {  	_ = 	snop;
	(pc) =	sbr.rel @p1 .LBB3_32-.Ltmp30, $1  }
0x1f7: {  	_ =	sdelay $0x3  }
0x1f8: {  	s13 =	simm.s32 $0xF218;
	p1 =	por $0x0, $0x0  }
0x1f9: {  	v1 =	vld.msk @!p1 [tilespmem:s13+$0x0], $0x1;
	_ =	sdelay $0x4  }
0x1fa: {  	(v2sf) =	vpush @!p1 v1, $0x0;
	_ =	sdelay $0xd  }
0x1fb: {  	p3 =	sne.s32 s6, $0x1  }
.Ltmp31:
0x1fc: {  	s0 =	spop @!p1 (v2sf);
	(pc) =	sbr.rel @!p3 .LBB3_30-.Ltmp31, $4  }
0x1fd: {  	p2 =	seq.s32 @!p1 s12, s0  }
0x1fe: {  	s14 =	simm.s32 $0x0;
	p2 =	por !p2, p1  }
0x1ff: {  	s0 =	simm.s32 $0xFFFFFFFF;
	s14 =	simm.s32 @p2 $0xFFFFFFFF  }
0x200: {  	s15 =	simm.s32 $0x1;
	s14 =	smov.u32 @p1 s0  }
.LBB3_29:
0x201: {  	s0 =	smov.u32 s14;
	p1 =	sne.s32 s14, $0xFFFFFFFF  }
0x202: {  	s13 =	sadd.s32 $0x1, s13;
	s14 =	smov.u32 s15;
	s15 =	sadd.s32 $0x1, s15  }
0x203: {  	p2 =	sne.s32 s6, s15;
	v1 =	vld.msk @!p1 [tilespmem:s13+$0x0], $0x1;
	_ =	sdelay $0x4  }
0x204: {  	(v2sf) =	vpush @!p1 v1, $0x0;
	_ =	sdelay $0xe  }
.Ltmp32:
0x205: {  	s16 =	spop @!p1 (v2sf);
	(pc) =	sbr.rel @p2 .LBB3_29-.Ltmp32, $4  }
0x206: {  	p3 =	seq.s32 @!p1 s12, s16  }
0x207: {  	p3 =	por !p3, p1  }
0x208: {  	s14 =	simm.s32 @p3 $0xFFFFFFFF  }
0x209: {  	s14 =	smov.u32 @p1 s0  }
.LBB3_30:
0x20a: {  	p1 =	seq.s32 s14, $0xFFFFFFFF  }
.Ltmp33:
0x20b: {  	_ = 	snop;
	(pc) =	sbr.rel @p1 .LBB3_32-.Ltmp33, $1  }
0x20c: {  	_ =	sdelay $0x3  }
0x20d: {  	s0 =	sshll.u32 s11, $0x7  }
0x20e: {  	s0 =	sand.u32 $0x3FFFFF80, s0  }
0x20f: {  	v0 =	vld [tilespmem:s0+$0xF238];
	_ =	sdelay $0x2  }
0x210: {  	s12 =	sshll.u32 s14, $0x9  }
0x211: {  	s12 =	sshra.s32 s12, $0x2  }
0x212: {  	[tilespmem:s12+$0xF238] =	vst.add.f32.msk $0xffff, v0  }
0x213: {  	v0 =	vld [tilespmem:s0+$0xF248];
	_ =	sdelay $0x4  }
0x214: {  	[tilespmem:s12+$0xF248] =	vst.add.f32.msk $0xffff, v0  }
0x215: {  	v0 =	vld [tilespmem:s0+$0xF258];
	_ =	sdelay $0x4  }
0x216: {  	[tilespmem:s12+$0xF258] =	vst.add.f32.msk $0xffff, v0  }
0x217: {  	v0 =	vld [tilespmem:s0+$0xF268];
	_ =	sdelay $0x4  }
0x218: {  	[tilespmem:s12+$0xF268] =	vst.add.f32.msk $0xffff, v0  }
0x219: {  	v0 =	vld [tilespmem:s0+$0xF278];
	_ =	sdelay $0x4  }
0x21a: {  	[tilespmem:s12+$0xF278] =	vst.add.f32.msk $0xffff, v0  }
0x21b: {  	v0 =	vld [tilespmem:s0+$0xF288];
	_ =	sdelay $0x4  }
0x21c: {  	[tilespmem:s12+$0xF288] =	vst.add.f32.msk $0xffff, v0  }
0x21d: {  	v0 =	vld [tilespmem:s0+$0xF298];
	_ =	sdelay $0x4  }
0x21e: {  	[tilespmem:s12+$0xF298] =	vst.add.f32.msk $0xffff, v0  }
0x21f: {  	v0 =	vld [tilespmem:s0+$0xF2A8]  }
.Ltmp34:
0x220: {  	_ = 	snop;
	(pc) =	sbr.rel .LBB3_33-.Ltmp34, $2  }
0x221: {  	_ =	sdelay $0x2  }
0x222: {  	[tilespmem:s12+$0xF2A8] =	vst.add.f32.msk $0xffff, v0  }
.LBB3_34:
0x223: {  	s0 =	simm.s32 $0x6;
	p1 =	seq.s32 s6, $0x0  }
0x224: {  	[sflag:s0] =	ssyncpa.u1 $0x1;
	v0 =	vimm.s32 @p1 $0xFFFFFFFF  }
0x225: {  	s9 =	sadd.s32 $0xFFFFFFFF, s6;
	[tilespmem:$0x10238] =	vst @p1 v0  }
0x226: {  	v0 =	vld.msk @!p1 [tilespmem:s9+$0xF218], $0x1;
	_ =	sdelay $0x1  }
0x227: {  	v1 =	vld.msk @!p1 [tilespmem:$0xF218], $0x1;
	_ =	sdelay $0x2  }
0x228: {  	p2 =	seq.s32 @!p1 s9, $0x0;
	v0 =	vbroadcast @!p1 v0, $0x0  }
0x229: {  	vm0 =	vmmov @!p1 $0x1;
	p2 =	por !p2, p1  }
0x22a: {  	v1 =	vnsel @!p1 vm0, $0xFFFFFFFF, v1;
	vm0 =	vcmask @!p1 $0x308;
	v0 =	vpsel !p2, $0xFFFFFFFF, v0  }
0x22b: {  	p2 =	sne.s32 @!p1 s8, s7;
	v0 =	vsel @!p1 vm0, v1, v0  }
0x22c: {  	s0 =	simm.s32 @!p1 $0xF238;
	s7 =	simm.s32 @!p1 $0x0;
	p3 =	por !p2, p1;
	[tilespmem:$0x10238] =	vst @!p1 v0  }
0x22d: {  	[spmem:s7] =	stream.linear.scatter @!p1 [tilespmem:s0], [sflag:$0x1], $0x80, $0x38;
	[tilespmem:$0x1F428] =	vst v63  }
0x22e: {  	s0 =	sshll.u32 @!p3 s9, $0x9  }
0x22f: {  	s0 =	sshra.s32 @!p3 s0, $0x2  }
0x230: {  	s7 =	simm.s32 @!p3 $0x80;
	s0 =	sadd.s32 @!p3 $0xF238, s0  }
0x231: {  	[spmem:s7] =	stream.linear.scatter @!p3 [tilespmem:s0], [sflag:$0x1], $0x80, $0x38;
	[tilespmem:$0x1F428] =	vst v63  }
0x232: {  	s0 =	simm.s32 @!p3 $0x1  }
0x233: {  	_ =	swait.ge @!p3 [sflag:s0], $0x100  }
0x234: {  	p1 =	por p2, p1;
	[sflag:s0] =	ssyncset.done @!p3 $0x0  }
0x235: {  	[sflag:s0] =	ssyncadd.s32 @!p3 $0xFFFFFF00;
	s0 =	simm.s32 @!p1 $0x1  }
0x236: {  	_ =	swait.ge @!p1 [sflag:s0], $0x80  }
0x237: {  	s29 =	simm.s32 $0x10238;
	[sflag:s0] =	ssyncset.done @!p1 $0x0  }
0x238: {  	s30 =	simm.s32 $0x1000;
	s31 =	simm.s32 $0x1;
	[sflag:s0] =	ssyncadd.s32 @!p1 $0xFFFFFF80  }
0x239: {  	[spmem:s30] =	stream.linear.scatter [tilespmem:s29], [sflag:$0x1], $0x10, $0x38;
	[tilespmem:$0x1F428] =	vst v63  }
0x23a: {  	p1 =	seq.s32 s5, $0x0;
	_ =	swait.ge [sflag:s31], $0x10  }
0x23b: {  	s7 =	sshll.u32 @p1 s4, $0xE;
	[sflag:s31] =	ssyncset.done $0x0  }
0x23c: {  	s0 =	sadd.s32 @p1 $0x15C3C, s7;
	s7 =	sshll.u32 @p1 s3, $0x11;
	[sflag:s31] =	ssyncadd.s32 $0xFFFFFFF0  }
0x23d: {  	s0 =	sor.u32 @p1 s7, s0;
	_ =	sfence.stream.spmem  }
0x23e: {  	[sflag:s0] =	ssyncadd.remote.s32 @p1 $0x1;
	s0 =	simm.s32 @p1 $0x4  }
0x23f: {  	s8 =	simm.s32 @!p1 $0x3C;
	s7 =	sand.u32 $0xFFFFFFFE, s4;
	_ =	swait.ge @p1 [sflag:s0], $0x22  }
0x240: {  	s10 =	simm.s32 @!p1 $0x0;
	s7 =	sadd.s32 @!p1 $0x4, s7;
	[sflag:s0] =	ssyncset.done @p1 $0x0  }
0x241: {  	s11 =	simm.s32 @!p1 $0x100;
	[sflag:s0] =	ssyncadd.s32 @p1 $0xFFFFFFDE;
	s0 =	sshll.u32 @!p1 s7, $0x1A  }
0x242: {  	s7 =	sshll.u32 @!p1 s7, $0xD;
	s0 =	sor.u32 @!p1 s0, s3;
	_ =	swait.eq @!p1 [sflag:s8], $0x1  }
0x243: {  	s7 =	sor.u32 @!p1 $0x1C04, s7;
	s8 =	simm.s32 @!p1 $0x1C03;
	s0 =	sor.u32 @!p1 $0x80004000, s0  }
0x244: {  	[spmem:s11], [sflag:s7] =	dma.general @!p1 [spmem:s10], [sflag:s8], length:$0x20, [dreg:$0x0], stride_count:$0x0, ici_dest:s0, dma_misc:DstOpCode:WRITE  }
0x245: {  	p2 =	slt.s32 s9, $0x2;
	s10 =	simm.s32 @!p1 $0x200;
	s11 =	simm.s32 @!p1 $0x202  }
0x246: {  	[spmem:s11], [sflag:s7] =	dma.general @!p1 [spmem:s10], [sflag:s8], length:$0x2, [dreg:$0x0], stride_count:$0x0, ici_dest:s0, dma_misc:DstOpCode:WRITE  }
.Ltmp35:
0x247: {  	s0 =	simm.s32 @!p1 $0x3;
	(pc) =	sbr.rel @p2 .LBB3_38-.Ltmp35, $4  }
0x248: {  	s4 =	sshll.u32 @!p1 s4, $0xE;
	_ =	swait.ge @!p1 [sflag:s0], $0x22  }
0x249: {  	s4 =	sadd.s32 @!p1 $0x11C3C, s4;
	s3 =	sshll.u32 @!p1 s3, $0x11;
	[sflag:s0] =	ssyncset.done @!p1 $0x0  }
0x24a: {  	[sflag:s0] =	ssyncadd.s32 @!p1 $0xFFFFFFDE;
	s0 =	sor.u32 @!p1 s3, s4  }
0x24b: {  	s3 =	simm.s32 $0x0;
	[sflag:s0] =	ssyncadd.remote.s32 @!p1 $0xFFFFFFFF  }
0x24c: {  	s0 =	simm.s32 $0xF219  }
0x24d: {  	v0 =	vld.msk [tilespmem:s0+$0x0], $0x1;
	_ =	sdelay $0x4  }
0x24e: {  	(v2sf) =	vpush v0, $0x0;
	_ =	sdelay $0xc  }
0x24f: {  	s4 =	sadd.s32 $0xFFFFFFFE, s6  }
0x250: {  	s4 =	sadd.s32 $0xFFFFFFFF, s4  }
0x251: {  	p2 =	sne.s32 s4, $0x0;
	s0 =	spop (v2sf)  }
.Ltmp36:
0x252: {  	p1 =	sgt.u32 s0, $0x270F0;
	(pc) =	sbr.rel @!p2 .LBB3_37-.Ltmp36, $4  }
0x253: {  	s3 =	simm.s32 $0xF2B8;
	s6 =	sand.u32 @!p1 $0x3FFF8, s0  }
0x254: {  	s8 =	simm.s32 $0x0;
	s0 =	sand.u32 @!p1 $0x7, s0;
	s6 =	sadd.s32 @!p1 s1, s6  }
0x255: {  	[hbm4b:s6+s0] =	stream.linear.scatter @!p1 [tilespmem:s3], [sflag:$0x5], $0x80, $0x38;
	[tilespmem:$0x1F428] =	vst v63  }
0x256: {  	s7 =	simm.s32 $0xF21A;
	s8 =	simm.s32 @!p1 $0x200;
	s6 =	simm.s32 $0x0  }
.LBB3_36:
0x257: {  	v0 =	vld.msk [tilespmem:s7+$0x0], $0x1;
	s4 =	sadd.s32 $0xFFFFFFFF, s4;
	s6 =	sadd.s32 s6, s8  }
0x258: {  	p1 =	sne.s32 s4, $0x0;
	_ =	sdelay $0x3  }
0x259: {  	(v2sf) =	vpush v0, $0x0;
	_ =	sdelay $0xe  }
.Ltmp37:
0x25a: {  	s0 =	spop (v2sf);
	(pc) =	sbr.rel @p1 .LBB3_36-.Ltmp37, $4  }
0x25b: {  	s8 =	simm.s32 $0x0;
	p2 =	sgt.u32 s0, $0x270F0  }
0x25c: {  	s3 =	sadd.s32 $0x80, s3;
	s8 =	simm.s32 @!p2 $0x200;
	s9 =	sand.u32 @!p2 $0x3FFF8, s0  }
0x25d: {  	s7 =	sadd.s32 $0x1, s7;
	s0 =	sand.u32 @!p2 $0x7, s0;
	s9 =	sadd.s32 @!p2 s1, s9  }
0x25e: {  	[hbm4b:s9+s0] =	stream.linear.scatter @!p2 [tilespmem:s3], [sflag:$0x5], $0x80, $0x38;
	[tilespmem:$0x1F428] =	vst v63  }
.LBB3_37:
0x25f: {  	s0 =	sadd.s32 s6, s8  }
0x260: {  	s3 =	sshrl.u32 s0, $0x2  }
.LBB3_38:
0x261: {  	s0 =	simm.s32 $0x5  }
0x262: {  	_ =	swait.ge [sflag:s0], s3  }
0x263: {  	s31 =	ssub.s32 $0x0, s3;
	[sflag:s0] =	ssyncset.done $0x0  }
0x264: {  	[sflag:s0] =	ssyncadd.s32 s31  }
0x265: {  	[sflag:s0] =	ssyncpa.u1 $0x1  }
.LBB3_39:
0x266: {  	s0 =	sor.u32 s5, s2  }
0x267: {  	p1 =	sne.s32 s0, $0x0  }
.Ltmp38:
0x268: {  	_ = 	snop;
	(pc) =	sbr.rel @p1 .LBB3_54-.Ltmp38, $3  }
0x269: {  	_ =	sdelay $0x1  }
0x26a: {  	[bflag:$0x0] =	sbarrier.arrive $0xFFFF  }
0x26b: {  	_ =	sfence  }
0x26c: {  	s0 =	simm.s32 $0x7  }
0x26d: {  	s2 =	simm.s32 $0x1000;
	s3 =	simm.s32 $0xF218;
	[sflag:s0] =	ssyncpa.u1 $0x0  }
0x26e: {  	[tilespmem:s3], [sflag:$0x7] =	stream.linear.gather [spmem:s2], $0x20, $0x38;
	[tilespmem:$0x1F428] =	vst v63  }
0x26f: {  	s30 =	simm.s32 $0xF238;
	s2 =	simm.s32 $0x0  }
0x270: {  	[tilespmem:s30], [sflag:$0x7] =	stream.linear.gather [spmem:s2], $0x1000, $0x38;
	[tilespmem:$0x1F428] =	vst v63  }
.Ltmp39:
0x271: {  	_ = 	snop;
	(pc) =	sbr.rel .LBB3_41-.Ltmp39, $4  }
0x272: {  	_ =	swait.ge [sflag:s0], $0x1020  }
0x273: {  	[sflag:s0] =	ssyncset.done $0x0  }
0x274: {  	s31 =	simm.s32 $0x8;
	[sflag:s0] =	ssyncadd.s32 $0xFFFFEFE0  }
0x275: {  	s3 =	simm.s32 $0x0;
	[sflag:s31] =	ssyncpa.u1 $0x0  }
.LBB3_47:
0x276: {  	p1 =	slt.u32 s4, $0x270F1  }
0x277: {  	s0 =	sand.u32 @p1 $0x3FFF8, s4  }
0x278: {  	s4 =	sand.u32 @p1 $0x7, s4;
	s5 =	simm.s32 @p1 $0xF188;
	s0 =	sadd.s32 @p1 s1, s0  }
0x279: {  	[tilespmem:s5], [sflag:$0x8] =	stream.linear.gather @p1 [hbm4b:s0+s4], $0x80, $0x38;
	[tilespmem:$0x1F428] =	vst v63  }
0x27a: {  	s0 =	simm.s32 @p1 $0x8  }
0x27b: {  	_ =	swait.ge @p1 [sflag:s0], $0x80  }
0x27c: {  	[sflag:s0] =	ssyncset.done @p1 $0x0  }
0x27d: {  	[sflag:s0] =	ssyncadd.s32 @p1 $0xFFFFFF80  }
0x27e: {  	v1 =	vld @p1 [tilespmem:$0xF188];
	_ =	sdelay $0x2  }
0x27f: {  	s0 =	sshll.u32 @p1 s3, $0x9  }
0x280: {  	s4 =	sshrl.u32 @p1 s0, $0x2  }
0x281: {  	[tilespmem:s4+$0xF238] =	vst.add.f32.msk @p1 $0xffff, v1  }
0x282: {  	v1 =	vld @p1 [tilespmem:$0xF198];
	_ =	sdelay $0x4  }
0x283: {  	[tilespmem:s4+$0xF248] =	vst.add.f32.msk @p1 $0xffff, v1  }
0x284: {  	v1 =	vld @p1 [tilespmem:$0xF1A8];
	_ =	sdelay $0x4  }
0x285: {  	[tilespmem:s4+$0xF258] =	vst.add.f32.msk @p1 $0xffff, v1  }
0x286: {  	v1 =	vld @p1 [tilespmem:$0xF1B8];
	_ =	sdelay $0x4  }
0x287: {  	[tilespmem:s4+$0xF268] =	vst.add.f32.msk @p1 $0xffff, v1  }
0x288: {  	v1 =	vld @p1 [tilespmem:$0xF1C8];
	_ =	sdelay $0x4  }
0x289: {  	[tilespmem:s4+$0xF278] =	vst.add.f32.msk @p1 $0xffff, v1  }
0x28a: {  	v1 =	vld @p1 [tilespmem:$0xF1D8];
	_ =	sdelay $0x4  }
0x28b: {  	[tilespmem:s4+$0xF288] =	vst.add.f32.msk @p1 $0xffff, v1  }
0x28c: {  	v1 =	vld @p1 [tilespmem:$0xF1E8];
	_ =	sdelay $0x4  }
0x28d: {  	[tilespmem:s4+$0xF298] =	vst.add.f32.msk @p1 $0xffff, v1  }
0x28e: {  	v1 =	vld @p1 [tilespmem:$0xF1F8];
	_ =	sdelay $0x3  }
0x28f: {  	s5 =	sshll.u32 @!p1 s3, $0x9  }
0x290: {  	s5 =	smov.u32 @p1 s0;
	[tilespmem:s4+$0xF2A8] =	vst.add.f32.msk @p1 $0xffff, v1  }
0x291: {  	s0 =	sshrl.u32 s5, $0x2;
	[tilespmem:s2+$0xF218] =	vst.msk $0x1, v0  }
0x292: {  	v0 =	vld [tilespmem:s0+$0xF238];
	_ =	sdelay $0x2  }
0x293: {  	s31 =	sshll.u32 s2, $0x9  }
0x294: {  	s4 =	sshra.s32 s31, $0x2  }
0x295: {  	[tilespmem:s4+$0xF238] =	vst v0  }
0x296: {  	v0 =	vld [tilespmem:s0+$0xF248];
	_ =	sdelay $0x4  }
0x297: {  	[tilespmem:s4+$0xF248] =	vst v0  }
0x298: {  	v0 =	vld [tilespmem:s0+$0xF258];
	_ =	sdelay $0x4  }
0x299: {  	[tilespmem:s4+$0xF258] =	vst v0  }
0x29a: {  	v0 =	vld [tilespmem:s0+$0xF268];
	_ =	sdelay $0x4  }
0x29b: {  	[tilespmem:s4+$0xF268] =	vst v0  }
0x29c: {  	v0 =	vld [tilespmem:s0+$0xF278];
	_ =	sdelay $0x4  }
0x29d: {  	[tilespmem:s4+$0xF278] =	vst v0  }
0x29e: {  	v0 =	vld [tilespmem:s0+$0xF288];
	_ =	sdelay $0x4  }
0x29f: {  	[tilespmem:s4+$0xF288] =	vst v0  }
0x2a0: {  	v0 =	vld [tilespmem:s0+$0xF298];
	_ =	sdelay $0x4  }
0x2a1: {  	[tilespmem:s4+$0xF298] =	vst v0  }
0x2a2: {  	v0 =	vld [tilespmem:s0+$0xF2A8];
	_ =	sdelay $0x4  }
0x2a3: {  	s2 =	sadd.s32 $0x1, s2;
	[tilespmem:s4+$0xF2A8] =	vst v0  }
.LBB3_48:
0x2a4: {  	s3 =	sadd.s32 $0x1, s3  }
0x2a5: {  	p1 =	sne.s32 s3, $0x20  }
.Ltmp40:
0x2a6: {  	_ = 	snop;
	(pc) =	sbr.rel @!p1 .LBB3_49-.Ltmp40, $1  }
0x2a7: {  	_ =	sdelay $0x3  }
.LBB3_41:
0x2a8: {  	v0 =	vld.msk [tilespmem:s3+$0xF218], $0x1;
	_ =	sdelay $0x4  }
0x2a9: {  	(v2sf) =	vpush v0, $0x0;
	_ =	sdelay $0xe  }
0x2aa: {  	s4 =	spop (v2sf)  }
0x2ab: {  	p1 =	seq.s32 s4, $0xFFFFFFFF  }
.Ltmp41:
0x2ac: {  	_ = 	snop;
	(pc) =	sbr.rel @p1 .LBB3_48-.Ltmp41, $1  }
0x2ad: {  	_ =	sdelay $0x3  }
0x2ae: {  	p1 =	slt.s32 s2, $0x1  }
.Ltmp42:
0x2af: {  	_ = 	snop;
	(pc) =	sbr.rel @p1 .LBB3_47-.Ltmp42, $1  }
0x2b0: {  	_ =	sdelay $0x3  }
0x2b1: {  	s5 =	simm.s32 $0xF218;
	p1 =	por $0x0, $0x0  }
0x2b2: {  	v1 =	vld.msk @!p1 [tilespmem:s5+$0x0], $0x1;
	_ =	sdelay $0x4  }
0x2b3: {  	(v2sf) =	vpush @!p1 v1, $0x0;
	_ =	sdelay $0xd  }
0x2b4: {  	p3 =	sne.s32 s2, $0x1  }
.Ltmp43:
0x2b5: {  	s0 =	spop @!p1 (v2sf);
	(pc) =	sbr.rel @!p3 .LBB3_45-.Ltmp43, $4  }
0x2b6: {  	p2 =	seq.s32 @!p1 s4, s0  }
0x2b7: {  	s6 =	simm.s32 $0x0;
	p2 =	por !p2, p1  }
0x2b8: {  	s0 =	simm.s32 $0xFFFFFFFF;
	s6 =	simm.s32 @p2 $0xFFFFFFFF  }
0x2b9: {  	s7 =	simm.s32 $0x1;
	s6 =	smov.u32 @p1 s0  }
.LBB3_44:
0x2ba: {  	s0 =	smov.u32 s6;
	p1 =	sne.s32 s6, $0xFFFFFFFF  }
0x2bb: {  	s5 =	sadd.s32 $0x1, s5;
	s6 =	smov.u32 s7;
	s7 =	sadd.s32 $0x1, s7  }
0x2bc: {  	p2 =	sne.s32 s2, s7;
	v1 =	vld.msk @!p1 [tilespmem:s5+$0x0], $0x1;
	_ =	sdelay $0x4  }
0x2bd: {  	(v2sf) =	vpush @!p1 v1, $0x0;
	_ =	sdelay $0xe  }
.Ltmp44:
0x2be: {  	s8 =	spop @!p1 (v2sf);
	(pc) =	sbr.rel @p2 .LBB3_44-.Ltmp44, $4  }
0x2bf: {  	p3 =	seq.s32 @!p1 s4, s8  }
0x2c0: {  	p3 =	por !p3, p1  }
0x2c1: {  	s6 =	simm.s32 @p3 $0xFFFFFFFF  }
0x2c2: {  	s6 =	smov.u32 @p1 s0  }
.LBB3_45:
0x2c3: {  	p1 =	seq.s32 s6, $0xFFFFFFFF  }
.Ltmp45:
0x2c4: {  	_ = 	snop;
	(pc) =	sbr.rel @p1 .LBB3_47-.Ltmp45, $1  }
0x2c5: {  	_ =	sdelay $0x3  }
0x2c6: {  	s0 =	sshll.u32 s3, $0x7  }
0x2c7: {  	s0 =	sand.u32 $0x3FFFFF80, s0  }
0x2c8: {  	v0 =	vld [tilespmem:s0+$0xF238];
	_ =	sdelay $0x2  }
0x2c9: {  	s4 =	sshll.u32 s6, $0x9  }
0x2ca: {  	s4 =	sshra.s32 s4, $0x2  }
0x2cb: {  	[tilespmem:s4+$0xF238] =	vst.add.f32.msk $0xffff, v0  }
0x2cc: {  	v0 =	vld [tilespmem:s0+$0xF248];
	_ =	sdelay $0x4  }
0x2cd: {  	[tilespmem:s4+$0xF248] =	vst.add.f32.msk $0xffff, v0  }
0x2ce: {  	v0 =	vld [tilespmem:s0+$0xF258];
	_ =	sdelay $0x4  }
0x2cf: {  	[tilespmem:s4+$0xF258] =	vst.add.f32.msk $0xffff, v0  }
0x2d0: {  	v0 =	vld [tilespmem:s0+$0xF268];
	_ =	sdelay $0x4  }
0x2d1: {  	[tilespmem:s4+$0xF268] =	vst.add.f32.msk $0xffff, v0  }
0x2d2: {  	v0 =	vld [tilespmem:s0+$0xF278];
	_ =	sdelay $0x4  }
0x2d3: {  	[tilespmem:s4+$0xF278] =	vst.add.f32.msk $0xffff, v0  }
0x2d4: {  	v0 =	vld [tilespmem:s0+$0xF288];
	_ =	sdelay $0x4  }
0x2d5: {  	[tilespmem:s4+$0xF288] =	vst.add.f32.msk $0xffff, v0  }
0x2d6: {  	v0 =	vld [tilespmem:s0+$0xF298];
	_ =	sdelay $0x4  }
0x2d7: {  	[tilespmem:s4+$0xF298] =	vst.add.f32.msk $0xffff, v0  }
0x2d8: {  	v0 =	vld [tilespmem:s0+$0xF2A8]  }
.Ltmp46:
0x2d9: {  	_ = 	snop;
	(pc) =	sbr.rel .LBB3_48-.Ltmp46, $2  }
0x2da: {  	_ =	sdelay $0x2  }
0x2db: {  	[tilespmem:s4+$0xF2A8] =	vst.add.f32.msk $0xffff, v0  }
.LBB3_49:
0x2dc: {  	p1 =	slt.s32 s2, $0x1  }
.Ltmp47:
0x2dd: {  	_ = 	snop;
	(pc) =	sbr.rel @p1 .LBB3_53-.Ltmp47, $3  }
0x2de: {  	_ =	sdelay $0x1  }
0x2df: {  	s0 =	simm.s32 $0x8  }
0x2e0: {  	s3 =	simm.s32 $0x0;
	[sflag:s0] =	ssyncpa.u1 $0x1  }
0x2e1: {  	s0 =	simm.s32 $0xF218  }
0x2e2: {  	v0 =	vld.msk [tilespmem:s0+$0x0], $0x1;
	_ =	sdelay $0x4  }
0x2e3: {  	(v2sf) =	vpush v0, $0x0;
	_ =	sdelay $0xd  }
0x2e4: {  	s2 =	sadd.s32 $0xFFFFFFFF, s2  }
0x2e5: {  	p2 =	sne.s32 s2, $0x0;
	s0 =	spop (v2sf)  }
.Ltmp48:
0x2e6: {  	p1 =	sgt.u32 s0, $0x270F0;
	(pc) =	sbr.rel @!p2 .LBB3_52-.Ltmp48, $4  }
0x2e7: {  	s4 =	simm.s32 $0xF238;
	s5 =	sand.u32 @!p1 $0x3FFF8, s0  }
0x2e8: {  	s6 =	simm.s32 $0x0;
	s0 =	sand.u32 @!p1 $0x7, s0;
	s5 =	sadd.s32 @!p1 s1, s5  }
0x2e9: {  	[hbm4b:s5+s0] =	stream.linear.scatter @!p1 [tilespmem:s4], [sflag:$0x7], $0x80, $0x38;
	[tilespmem:$0x1F428] =	vst v63  }
0x2ea: {  	s6 =	simm.s32 @!p1 $0x200;
	s5 =	simm.s32 $0xF219  }
.LBB3_51:
0x2eb: {  	v0 =	vld.msk [tilespmem:s5+$0x0], $0x1;
	s2 =	sadd.s32 $0xFFFFFFFF, s2;
	s3 =	sadd.s32 s3, s6  }
0x2ec: {  	p1 =	sne.s32 s2, $0x0;
	_ =	sdelay $0x3  }
0x2ed: {  	(v2sf) =	vpush v0, $0x0;
	_ =	sdelay $0xe  }
.Ltmp49:
0x2ee: {  	s0 =	spop (v2sf);
	(pc) =	sbr.rel @p1 .LBB3_51-.Ltmp49, $4  }
0x2ef: {  	s6 =	simm.s32 $0x0;
	p2 =	sgt.u32 s0, $0x270F0  }
0x2f0: {  	s4 =	sadd.s32 $0x80, s4;
	s6 =	simm.s32 @!p2 $0x200;
	s7 =	sand.u32 @!p2 $0x3FFF8, s0  }
0x2f1: {  	s5 =	sadd.s32 $0x1, s5;
	s0 =	sand.u32 @!p2 $0x7, s0;
	s7 =	sadd.s32 @!p2 s1, s7  }
0x2f2: {  	[hbm4b:s7+s0] =	stream.linear.scatter @!p2 [tilespmem:s4], [sflag:$0x7], $0x80, $0x38;
	[tilespmem:$0x1F428] =	vst v63  }
.LBB3_52:
0x2f3: {  	s0 =	sadd.s32 s3, s6  }
0x2f4: {  	s3 =	sshrl.u32 s0, $0x2  }
.LBB3_53:
0x2f5: {  	s0 =	simm.s32 $0x7  }
0x2f6: {  	_ =	swait.ge [sflag:s0], s3  }
0x2f7: {  	s1 =	ssub.s32 $0x0, s3;
	[sflag:s0] =	ssyncset.done $0x0  }
0x2f8: {  	[sflag:s0] =	ssyncadd.s32 s1  }
0x2f9: {  	[sflag:s0] =	ssyncpa.u1 $0x1  }
.LBB3_54:
0x2fa: {  	_ =	sfence;
	s0 =	simm.s32 $0x1  }
0x2fb: {  	[sflag:s0] =	ssyncpa.u1 $0x1  }
0x2fc: {  	_ =	strace $0x9000004A  }
0x2fd: {  	[bflag:$0x2] =	sbarrier.arrive $0xFFFF  }
0x2fe: {  	s0 =	rddreg [dreg:$0x4]  }
0x2ff: {  	s0 =	sadd.s32 @!p0 $0x100000, s0  }
0x300: {  	[sflag:s0] =	ssyncadd.tile.s32 @!p0 $0x1;
	_ =	shalt  }
.Lfunc_end3:
_tile_overlayer_lowered:
.L_overlay_start_3:
0x301: {  	(tag) =	ssettag $0x3  }
0x302: {  	s0 =	rddreg [dreg:$0x0];
	s2 =	stileid.u32  }
0x303: {  	s1 =	rddreg [dreg:$0x1];
	p0 =	sne.s32 s2, $0x0  }
0x304: {  	s3 =	rddreg [dreg:$0x2];
	[bflag:$0x3] =	sbarrier.arrive $0xFFFF;
	s2 =	simm.s32 @!p0 $0x1C01  }
0x305: {  	[timem:s3], [sflag:s2] =	dma.local @!p0 [hbm:s0], s1  }
0x306: {  	s0 =	simm.s32 @!p0 $0x1  }
0x307: {  	_ =	swait.ge @!p0 [sflag:s0], s1  }
0x308: {  	s1 =	ssub.s32 @!p0 $0x0, s1;
	[sflag:s0] =	ssyncset.done @!p0 $0x0  }
0x309: {  	[sflag:s0] =	ssyncadd.s32 @!p0 s1  }
0x30a: {  	[bflag:$0x3] =	sbarrier.arrive $0xFFFF  }
0x30b: {  	_ =	shalt  }

</sc_bundles>
